<compile_context>
chip_gen: v7x
topology: tpu7x:2x2x1
jax: 0.10.2.dev20260603
libtpu: 0.0.44.dev20260713+nightly
codegen_flags: <defaults>
</compile_context>

<pallas_src>
import functools

import jax
import jax.numpy as jnp
from jax import lax
from jax.experimental import pallas as pl
from jax.experimental.pallas import tpu as pltpu
from jax.experimental.pallas import tpu_sc as plsc

_EMB = 300
_HID = 1000
_NDIS = 1000
_B = 4096
_L = 200

_NC, _NS = 2, 16
_NW = _NC * _NS
_BPW = _B // _NW
_LH = _L // 2
_LP = 104
_EMBP = 320
_COFF = tuple(range(0, _EMBP, 32))
_FLUSH = 8


def _sc_pool_body(x_hbm, emb_hbm, out_hbm, idx_v, buf0_v, buf1_v,
                  stage_v, sem0, sem1):
    wid = lax.axis_index("s") * _NC + lax.axis_index("c")
    base = pl.multiple_of(wid * _BPW, _BPW)
    pltpu.sync_copy(x_hbm.at[pl.ds(base, _BPW)], idx_v)

    pairs = ((0, buf0_v, sem0), (1, buf1_v, sem1))

    def issue(b, bufj, semj, j):
        pltpu.async_copy(emb_hbm.at[idx_v.at[b, j]], bufj, semj)

    issue(0, buf0_v, sem0, 0)
    issue(0, buf1_v, sem1, 1)

    def row_body(b, carry):
        m = tuple(jnp.full((32,), -jnp.inf, dtype=jnp.bfloat16) for _ in _COFF)
        for j, bufj, semj in pairs:
            pltpu.make_async_copy(emb_hbm.at[idx_v.at[b, j]], bufj, semj).wait()

            def scan_body(r, m, bufj=bufj):
                return tuple(
                    jnp.maximum(m[k], bufj[r, pl.ds(_COFF[k], 32)])
                    for k in range(len(_COFF)))

            m = lax.fori_loop(0, _LP, scan_body, m)

            @pl.when(b + 1 < _BPW)
            def _(bufj=bufj, semj=semj, j=j):
                issue(b + 1, bufj, semj, j)

        si = lax.rem(b, _FLUSH)
        for k in range(len(_COFF)):
            stage_v[si, pl.ds(_COFF[k], 32)] = m[k]

        @pl.when(si == _FLUSH - 1)
        def _():
            row0 = pl.multiple_of(base + b - (_FLUSH - 1), _FLUSH)
            pltpu.sync_copy(stage_v, out_hbm.at[pl.ds(row0, _FLUSH)])

        return carry

    lax.fori_loop(0, _BPW, row_body, 0)


_sc_pool = pl.kernel(
    _sc_pool_body,
    out_type=jax.ShapeDtypeStruct((_B, _EMBP), jnp.bfloat16),
    mesh=plsc.VectorSubcoreMesh(core_axis_name="c", subcore_axis_name="s",
                                num_cores=_NC, num_subcores=_NS),
    scratch_types=[
        pltpu.VMEM((_BPW, 2, _LP), jnp.int32),
        pltpu.VMEM((_LP, _EMBP), jnp.bfloat16),
        pltpu.VMEM((_LP, _EMBP), jnp.bfloat16),
        pltpu.VMEM((_FLUSH, _EMBP), jnp.bfloat16),
        pltpu.SemaphoreType.DMA,
        pltpu.SemaphoreType.DMA,
    ],
    compiler_params=pltpu.CompilerParams(use_tc_tiling_on_sc=False),
)


_BT = 256


def _mlp_body(t_ref, w1_ref, b1_ref, w2_ref, b2_ref, o_ref):
    t = t_ref[...]
    h = jnp.dot(t, w1_ref[...], preferred_element_type=jnp.float32) + b1_ref[...]
    h = jnp.maximum(h, 0.0)
    z = jnp.dot(h, w2_ref[...], preferred_element_type=jnp.float32) + b2_ref[...]
    o_ref[...] = 1.0 / (1.0 + jnp.exp(-z))


_mlp = pl.pallas_call(
    _mlp_body,
    grid=(_B // _BT,),
    in_specs=[
        pl.BlockSpec((_BT, _EMB), lambda i: (i, 0)),
        pl.BlockSpec((_EMB, _HID), lambda i: (0, 0)),
        pl.BlockSpec((1, _HID), lambda i: (0, 0)),
        pl.BlockSpec((_HID, _NDIS), lambda i: (0, 0)),
        pl.BlockSpec((1, _NDIS), lambda i: (0, 0)),
    ],
    out_specs=pl.BlockSpec((_BT, _NDIS), lambda i: (i, 0)),
    out_shape=jax.ShapeDtypeStruct((_B, _NDIS), jnp.float32),
)


def kernel(x, emb, W1, b1, W2, b2):
    xh = x.reshape(_B, 2, _LH)
    x3 = jnp.concatenate(
        [xh, jnp.broadcast_to(xh[:, :, :1], (_B, 2, _LP - _LH))], axis=2)
    emb_p = jnp.pad(emb.astype(jnp.bfloat16), ((0, 0), (0, _EMBP - _EMB)))
    pooled = _sc_pool(x3, emb_p)[:, :_EMB].astype(jnp.float32)
    return _mlp(pooled, W1, b1.reshape(1, _HID), W2, b2.reshape(1, _NDIS))

# --- scband reference (transcript-rebuilt; emitter-appended) ---
"""Pipeline reference for scband-nn-representation-80822694576270 (READ-ONLY COPY).

The authoritative reference and input builder live on the scoring server;
editing this copy changes nothing except your own understanding.
"""

import jax, jax.numpy as jnp
import numpy as np

IN_DIM = 100000
EMB_DIM = 300
HID_DIM = 1000
N_DISEASES = 1000
B = 4096
L = 200


def setup_inputs(seed: int = 0) -> dict:
    key = jax.random.key(seed)
    k1, k2, k3, k4 = jax.random.split(key, 4)
    x = jax.random.randint(k1, (B, L), 0, IN_DIM, dtype=jnp.int32)
    emb = jax.random.normal(k2, (IN_DIM, EMB_DIM), dtype=jnp.float32) * 0.02
    W1 = jax.random.normal(k3, (EMB_DIM, HID_DIM), dtype=jnp.float32) * (1.0 / np.sqrt(EMB_DIM))
    b1 = jnp.zeros((HID_DIM,), dtype=jnp.float32)
    W2 = jax.random.normal(k4, (HID_DIM, N_DISEASES), dtype=jnp.float32) * (1.0 / np.sqrt(HID_DIM))
    b2 = jnp.zeros((N_DISEASES,), dtype=jnp.float32)
    return {"x": x, "emb": emb, "W1": W1, "b1": b1, "W2": W2, "b2": b2}


def reference(x, emb, W1, b1, W2, b2):
    # emb lookup: [B, L] -> [B, L, EMB_DIM]
    t = jnp.take(emb, x, axis=0)
    # permute + AdaptiveMaxPool1d(1) == max over the sequence (L) axis
    t = jnp.max(t, axis=1)  # [B, EMB_DIM]
    # hidden linear + ReLU
    h = jnp.maximum(t @ W1 + b1, 0.0)
    # final linear + sigmoid
    out = jax.nn.sigmoid(h @ W2 + b2)
    return out

if __name__ == "__main__":
    import jax
    _d = setup_inputs()
    print(jax.jit(kernel)(*tuple(_d.values())))

</pallas_src>

<mosaic_0001>
#map = affine_map<(d0, d1) -> (0, 0, 0)>
#map1 = affine_map<(d0, d1) -> (0, 0)>
module attributes {stable_mosaic.version = 14 : i64} {
  func.func @_sc_pool_body(%arg0: i32, %arg1: i32, %arg2: memref<4096x2x104xi32, #tpu.memory_space<hbm>>, %arg3: memref<100000x320xbf16, #tpu.memory_space<hbm>>, %arg4: memref<4096x320xbf16, #tpu.memory_space<hbm>>, %arg5: memref<128x2x104xi32, #tpu.memory_space<vmem>>, %arg6: memref<104x320xbf16, #tpu.memory_space<vmem>>, %arg7: memref<104x320xbf16, #tpu.memory_space<vmem>>, %arg8: memref<8x320xbf16, #tpu.memory_space<vmem>>, %arg9: memref<!tpu.dma_semaphore, #tpu.memory_space<semaphore_mem>>, %arg10: memref<!tpu.dma_semaphore, #tpu.memory_space<semaphore_mem>>) attributes {dimension_semantics = [#tpu.dimension_semantics<core_parallel>, #tpu.dimension_semantics<subcore_parallel>], iteration_bounds = array<i64: 2, 16>, scalar_prefetch = 0 : i64, scratch_operands = 6 : i64, tpu.core_type = #tpu.core_type<sc_vector_subcore>, window_params = [{transform_indices = #map}, {transform_indices = #map1}, {transform_indices = #map1}]} {
    %mul3A = arith.constant 2 : i32
    %mul3A_0 = arith.muli %arg1, %mul3A : i32
    %add3A = arith.addi %mul3A_0, %arg0 : i32
    %mul3A_1 = arith.constant 128 : i32
    %mul3A_2 = arith.muli %add3A, %mul3A_1 : i32
    %multiple_of3A = tpu.assume_multiple %mul3A_2, 128 : i32
    "tpu.region"() ({
      %run_scoped3A = tpu.sem_alloc : memref<!tpu.dma_semaphore, #tpu.memory_space<semaphore_mem>>
      %dma_start3A_23 = arith.constant 0 : i32
      %dma_start3A_24 = arith.constant 0 : i32
      %dma_start3A_25 = tpu.memref_slice %arg2[%multiple_of3A, %dma_start3A_23, %dma_start3A_24] : memref<4096x2x104xi32, #tpu.memory_space<hbm>> -> memref<128x2x104xi32, #tpu.memory_space<hbm>>
      %dma_start3A_26 = arith.constant 0 : i32
      %dma_start3A_27 = arith.constant 0 : i32
      %dma_start3A_28 = tpu.memref_slice %arg2[%multiple_of3A, %dma_start3A_26, %dma_start3A_27] : memref<4096x2x104xi32, #tpu.memory_space<hbm>> -> memref<128x2x104xi32, #tpu.memory_space<hbm>>
      tpu.enqueue_dma source(%dma_start3A_28 : memref<128x2x104xi32, #tpu.memory_space<hbm>>) target(%arg5 : memref<128x2x104xi32, #tpu.memory_space<vmem>>) target_semaphore(%run_scoped3A : memref<!tpu.dma_semaphore, #tpu.memory_space<semaphore_mem>>)
      %dma_wait3A = arith.constant 0 : i32
      %dma_wait3A_29 = arith.constant 0 : i32
      %dma_wait3A_30 = tpu.memref_slice %arg2[%multiple_of3A, %dma_wait3A, %dma_wait3A_29] : memref<4096x2x104xi32, #tpu.memory_space<hbm>> -> memref<128x2x104xi32, #tpu.memory_space<hbm>>
      %dma_wait3A_31 = arith.constant 0 : i32
      %dma_wait3A_32 = arith.constant 0 : i32
      %dma_wait3A_33 = tpu.memref_slice %arg2[%multiple_of3A, %dma_wait3A_31, %dma_wait3A_32] : memref<4096x2x104xi32, #tpu.memory_space<hbm>> -> memref<128x2x104xi32, #tpu.memory_space<hbm>>
      tpu.wait_dma2 semaphore(%run_scoped3A : memref<!tpu.dma_semaphore, #tpu.memory_space<semaphore_mem>>) src(%dma_wait3A_33 : memref<128x2x104xi32, #tpu.memory_space<hbm>>) dst(%arg5 : memref<128x2x104xi32, #tpu.memory_space<vmem>>)
      tpu.yield
    }) : () -> ()
    %dma_start3A = arith.constant 0 : i32
    %dma_start3A_3 = arith.constant 0 : i32
    %dma_start3A_4 = arith.constant 0 : i32
    %dma_start3A_5 = tpu.memref_slice %arg5[%dma_start3A, %dma_start3A_3, %dma_start3A_4] : memref<128x2x104xi32, #tpu.memory_space<vmem>> -> memref<1x1x104xi32, #tpu.memory_space<vmem>>
    %dma_start3A_6 = tpu.memref_squeeze %dma_start3A_5 : memref<1x1x104xi32, #tpu.memory_space<vmem>> -> memref<104xi32, #tpu.memory_space<vmem>>
    %dma_start3A_7 = arith.constant 0 : i32
    %dma_start3A_8 = arith.constant 0 : i32
    %dma_start3A_9 = tpu.memref_slice %arg3[%dma_start3A_7, %dma_start3A_8] : memref<100000x320xbf16, #tpu.memory_space<hbm>> -> memref<100000x320xbf16, #tpu.memory_space<hbm>>
    tpu.enqueue_indirect_dma source(%dma_start3A_9 : memref<100000x320xbf16, #tpu.memory_space<hbm>>) target(%arg6 : memref<104x320xbf16, #tpu.memory_space<vmem>>) offsets(%dma_start3A_6 : memref<104xi32, #tpu.memory_space<vmem>>) semaphore(%arg9 : memref<!tpu.dma_semaphore, #tpu.memory_space<semaphore_mem>>)
    %dma_start3A_10 = arith.constant 0 : i32
    %dma_start3A_11 = arith.constant 1 : i32
    %dma_start3A_12 = arith.constant 0 : i32
    %dma_start3A_13 = tpu.memref_slice %arg5[%dma_start3A_10, %dma_start3A_11, %dma_start3A_12] : memref<128x2x104xi32, #tpu.memory_space<vmem>> -> memref<1x1x104xi32, #tpu.memory_space<vmem>>
    %dma_start3A_14 = tpu.memref_squeeze %dma_start3A_13 : memref<1x1x104xi32, #tpu.memory_space<vmem>> -> memref<104xi32, #tpu.memory_space<vmem>>
    %dma_start3A_15 = arith.constant 0 : i32
    %dma_start3A_16 = arith.constant 0 : i32
    %dma_start3A_17 = tpu.memref_slice %arg3[%dma_start3A_15, %dma_start3A_16] : memref<100000x320xbf16, #tpu.memory_space<hbm>> -> memref<100000x320xbf16, #tpu.memory_space<hbm>>
    tpu.enqueue_indirect_dma source(%dma_start3A_17 : memref<100000x320xbf16, #tpu.memory_space<hbm>>) target(%arg7 : memref<104x320xbf16, #tpu.memory_space<vmem>>) offsets(%dma_start3A_14 : memref<104xi32, #tpu.memory_space<vmem>>) semaphore(%arg10 : memref<!tpu.dma_semaphore, #tpu.memory_space<semaphore_mem>>)
    %scan3A = arith.constant 0 : i32
    %scan3A_18 = arith.constant 0 : i32
    %scan3A_19 = arith.constant 128 : i32
    %scan3A_20 = arith.addi %scan3A_18, %scan3A_19 : i32
    %scan3A_21 = arith.constant 1 : i32
    scf.for %scan3A_23 = %scan3A_18 to %scan3A_20 step %scan3A_21  : i32 {
      %broadcast_in_dim3A = arith.constant 0xFF80 : bf16
      %broadcast_in_dim3A_24 = vector.broadcast %broadcast_in_dim3A : bf16 to vector<32xbf16>
      %broadcast_in_dim3A_25 = arith.constant 0xFF80 : bf16
      %broadcast_in_dim3A_26 = vector.broadcast %broadcast_in_dim3A_25 : bf16 to vector<32xbf16>
      %broadcast_in_dim3A_27 = arith.constant 0xFF80 : bf16
      %broadcast_in_dim3A_28 = vector.broadcast %broadcast_in_dim3A_27 : bf16 to vector<32xbf16>
      %broadcast_in_dim3A_29 = arith.constant 0xFF80 : bf16
      %broadcast_in_dim3A_30 = vector.broadcast %broadcast_in_dim3A_29 : bf16 to vector<32xbf16>
      %broadcast_in_dim3A_31 = arith.constant 0xFF80 : bf16
      %broadcast_in_dim3A_32 = vector.broadcast %broadcast_in_dim3A_31 : bf16 to vector<32xbf16>
      %broadcast_in_dim3A_33 = arith.constant 0xFF80 : bf16
      %broadcast_in_dim3A_34 = vector.broadcast %broadcast_in_dim3A_33 : bf16 to vector<32xbf16>
      %broadcast_in_dim3A_35 = arith.constant 0xFF80 : bf16
      %broadcast_in_dim3A_36 = vector.broadcast %broadcast_in_dim3A_35 : bf16 to vector<32xbf16>
      %broadcast_in_dim3A_37 = arith.constant 0xFF80 : bf16
      %broadcast_in_dim3A_38 = vector.broadcast %broadcast_in_dim3A_37 : bf16 to vector<32xbf16>
      %broadcast_in_dim3A_39 = arith.constant 0xFF80 : bf16
      %broadcast_in_dim3A_40 = vector.broadcast %broadcast_in_dim3A_39 : bf16 to vector<32xbf16>
      %broadcast_in_dim3A_41 = arith.constant 0xFF80 : bf16
      %broadcast_in_dim3A_42 = vector.broadcast %broadcast_in_dim3A_41 : bf16 to vector<32xbf16>
      %dma_wait3A = arith.constant 0 : i32
      %dma_wait3A_43 = arith.constant 0 : i32
      %dma_wait3A_44 = tpu.memref_slice %arg5[%scan3A_23, %dma_wait3A, %dma_wait3A_43] : memref<128x2x104xi32, #tpu.memory_space<vmem>> -> memref<1x1x104xi32, #tpu.memory_space<vmem>>
      %dma_wait3A_45 = tpu.memref_squeeze %dma_wait3A_44 : memref<1x1x104xi32, #tpu.memory_space<vmem>> -> memref<104xi32, #tpu.memory_space<vmem>>
      %dma_wait3A_46 = arith.constant 0 : i32
      %dma_wait3A_47 = arith.constant 0 : i32
      %dma_wait3A_48 = tpu.memref_slice %arg3[%dma_wait3A_46, %dma_wait3A_47] : memref<100000x320xbf16, #tpu.memory_space<hbm>> -> memref<100000x320xbf16, #tpu.memory_space<hbm>>
      tpu.wait_indirect_dma semaphore(%arg9 : memref<!tpu.dma_semaphore, #tpu.memory_space<semaphore_mem>>) src(%dma_wait3A_48 : memref<100000x320xbf16, #tpu.memory_space<hbm>>) dst(%arg6 : memref<104x320xbf16, #tpu.memory_space<vmem>>)
      %scan3A_49 = arith.constant 0 : i32
      %scan3A_50 = arith.constant 104 : i32
      %scan3A_51 = arith.addi %scan3A_49, %scan3A_50 : i32
      %scan3A_52 = arith.constant 1 : i32
      %scan3A_53:10 = scf.for %scan3A_133 = %scan3A_49 to %scan3A_51 step %scan3A_52 iter_args(%scan3A_134 = %broadcast_in_dim3A_24, %scan3A_135 = %broadcast_in_dim3A_26, %scan3A_136 = %broadcast_in_dim3A_28, %scan3A_137 = %broadcast_in_dim3A_30, %scan3A_138 = %broadcast_in_dim3A_32, %scan3A_139 = %broadcast_in_dim3A_34, %scan3A_140 = %broadcast_in_dim3A_36, %scan3A_141 = %broadcast_in_dim3A_38, %scan3A_142 = %broadcast_in_dim3A_40, %scan3A_143 = %broadcast_in_dim3A_42) -> (vector<32xbf16>, vector<32xbf16>, vector<32xbf16>, vector<32xbf16>, vector<32xbf16>, vector<32xbf16>, vector<32xbf16>, vector<32xbf16>, vector<32xbf16>, vector<32xbf16>)  : i32 {
        %get3A = arith.index_cast %scan3A_133 : i32 to index
        %get3A_144 = arith.constant 0 : index
        %get3A_145 = tpu.vector_load %arg6[%get3A, %get3A_144] {strides = array<i32>} : memref<104x320xbf16, #tpu.memory_space<vmem>>, vector<1x32xbf16>,
        %get3A_146 = vector.shape_cast %get3A_145 : vector<1x32xbf16> to vector<32xbf16>
        %max3A = arith.maximumf %scan3A_134, %get3A_146 : vector<32xbf16>
        %get3A_147 = arith.index_cast %scan3A_133 : i32 to index
        %get3A_148 = arith.constant 32 : index
        %get3A_149 = tpu.vector_load %arg6[%get3A_147, %get3A_148] {strides = array<i32>} : memref<104x320xbf16, #tpu.memory_space<vmem>>, vector<1x32xbf16>,
        %get3A_150 = vector.shape_cast %get3A_149 : vector<1x32xbf16> to vector<32xbf16>
        %max3A_151 = arith.maximumf %scan3A_135, %get3A_150 : vector<32xbf16>
        %get3A_152 = arith.index_cast %scan3A_133 : i32 to index
        %get3A_153 = arith.constant 64 : index
        %get3A_154 = tpu.vector_load %arg6[%get3A_152, %get3A_153] {strides = array<i32>} : memref<104x320xbf16, #tpu.memory_space<vmem>>, vector<1x32xbf16>,
        %get3A_155 = vector.shape_cast %get3A_154 : vector<1x32xbf16> to vector<32xbf16>
        %max3A_156 = arith.maximumf %scan3A_136, %get3A_155 : vector<32xbf16>
        %get3A_157 = arith.index_cast %scan3A_133 : i32 to index
        %get3A_158 = arith.constant 96 : index
        %get3A_159 = tpu.vector_load %arg6[%get3A_157, %get3A_158] {strides = array<i32>} : memref<104x320xbf16, #tpu.memory_space<vmem>>, vector<1x32xbf16>,
        %get3A_160 = vector.shape_cast %get3A_159 : vector<1x32xbf16> to vector<32xbf16>
        %max3A_161 = arith.maximumf %scan3A_137, %get3A_160 : vector<32xbf16>
        %get3A_162 = arith.index_cast %scan3A_133 : i32 to index
        %get3A_163 = arith.constant 128 : index
        %get3A_164 = tpu.vector_load %arg6[%get3A_162, %get3A_163] {strides = array<i32>} : memref<104x320xbf16, #tpu.memory_space<vmem>>, vector<1x32xbf16>,
        %get3A_165 = vector.shape_cast %get3A_164 : vector<1x32xbf16> to vector<32xbf16>
        %max3A_166 = arith.maximumf %scan3A_138, %get3A_165 : vector<32xbf16>
        %get3A_167 = arith.index_cast %scan3A_133 : i32 to index
        %get3A_168 = arith.constant 160 : index
        %get3A_169 = tpu.vector_load %arg6[%get3A_167, %get3A_168] {strides = array<i32>} : memref<104x320xbf16, #tpu.memory_space<vmem>>, vector<1x32xbf16>,
        %get3A_170 = vector.shape_cast %get3A_169 : vector<1x32xbf16> to vector<32xbf16>
        %max3A_171 = arith.maximumf %scan3A_139, %get3A_170 : vector<32xbf16>
        %get3A_172 = arith.index_cast %scan3A_133 : i32 to index
        %get3A_173 = arith.constant 192 : index
        %get3A_174 = tpu.vector_load %arg6[%get3A_172, %get3A_173] {strides = array<i32>} : memref<104x320xbf16, #tpu.memory_space<vmem>>, vector<1x32xbf16>,
        %get3A_175 = vector.shape_cast %get3A_174 : vector<1x32xbf16> to vector<32xbf16>
        %max3A_176 = arith.maximumf %scan3A_140, %get3A_175 : vector<32xbf16>
        %get3A_177 = arith.index_cast %scan3A_133 : i32 to index
        %get3A_178 = arith.constant 224 : index
        %get3A_179 = tpu.vector_load %arg6[%get3A_177, %get3A_178] {strides = array<i32>} : memref<104x320xbf16, #tpu.memory_space<vmem>>, vector<1x32xbf16>,
        %get3A_180 = vector.shape_cast %get3A_179 : vector<1x32xbf16> to vector<32xbf16>
        %max3A_181 = arith.maximumf %scan3A_141, %get3A_180 : vector<32xbf16>
        %get3A_182 = arith.index_cast %scan3A_133 : i32 to index
        %get3A_183 = arith.constant 256 : index
        %get3A_184 = tpu.vector_load %arg6[%get3A_182, %get3A_183] {strides = array<i32>} : memref<104x320xbf16, #tpu.memory_space<vmem>>, vector<1x32xbf16>,
        %get3A_185 = vector.shape_cast %get3A_184 : vector<1x32xbf16> to vector<32xbf16>
        %max3A_186 = arith.maximumf %scan3A_142, %get3A_185 : vector<32xbf16>
        %get3A_187 = arith.index_cast %scan3A_133 : i32 to index
        %get3A_188 = arith.constant 288 : index
        %get3A_189 = tpu.vector_load %arg6[%get3A_187, %get3A_188] {strides = array<i32>} : memref<104x320xbf16, #tpu.memory_space<vmem>>, vector<1x32xbf16>,
        %get3A_190 = vector.shape_cast %get3A_189 : vector<1x32xbf16> to vector<32xbf16>
        %max3A_191 = arith.maximumf %scan3A_143, %get3A_190 : vector<32xbf16>
        scf.yield %max3A, %max3A_151, %max3A_156, %max3A_161, %max3A_166, %max3A_171, %max3A_176, %max3A_181, %max3A_186, %max3A_191 : vector<32xbf16>, vector<32xbf16>, vector<32xbf16>, vector<32xbf16>, vector<32xbf16>, vector<32xbf16>, vector<32xbf16>, vector<32xbf16>, vector<32xbf16>, vector<32xbf16>
      }
      %scan3A_54 = arith.constant 104 : i32
      %add3A_55 = arith.constant 1 : i32
      %add3A_56 = arith.addi %scan3A_23, %add3A_55 : i32
      %lt3A = arith.constant 128 : i32
      %lt3A_57 = arith.cmpi slt, %add3A_56, %lt3A : i32
      %convert_element_type3A = arith.extui %lt3A_57 : i1 to i32
      %cond3A = arith.constant 0 : i32
      %cond3A_58 = arith.cmpi ne, %convert_element_type3A, %cond3A : i32
      scf.if %cond3A_58 {
        %add3A_133 = arith.constant 1 : i32
        %add3A_134 = arith.addi %scan3A_23, %add3A_133 : i32
        %dma_start3A_135 = arith.constant 0 : i32
        %dma_start3A_136 = arith.constant 0 : i32
        %dma_start3A_137 = tpu.memref_slice %arg5[%add3A_134, %dma_start3A_135, %dma_start3A_136] : memref<128x2x104xi32, #tpu.memory_space<vmem>> -> memref<1x1x104xi32, #tpu.memory_space<vmem>>
        %dma_start3A_138 = tpu.memref_squeeze %dma_start3A_137 : memref<1x1x104xi32, #tpu.memory_space<vmem>> -> memref<104xi32, #tpu.memory_space<vmem>>
        %dma_start3A_139 = arith.constant 0 : i32
        %dma_start3A_140 = arith.constant 0 : i32
        %dma_start3A_141 = tpu.memref_slice %arg3[%dma_start3A_139, %dma_start3A_140] : memref<100000x320xbf16, #tpu.memory_space<hbm>> -> memref<100000x320xbf16, #tpu.memory_space<hbm>>
        tpu.enqueue_indirect_dma source(%dma_start3A_141 : memref<100000x320xbf16, #tpu.memory_space<hbm>>) target(%arg6 : memref<104x320xbf16, #tpu.memory_space<vmem>>) offsets(%dma_start3A_138 : memref<104xi32, #tpu.memory_space<vmem>>) semaphore(%arg9 : memref<!tpu.dma_semaphore, #tpu.memory_space<semaphore_mem>>)
      } else {
      }
      %dma_wait3A_59 = arith.constant 1 : i32
      %dma_wait3A_60 = arith.constant 0 : i32
      %dma_wait3A_61 = tpu.memref_slice %arg5[%scan3A_23, %dma_wait3A_59, %dma_wait3A_60] : memref<128x2x104xi32, #tpu.memory_space<vmem>> -> memref<1x1x104xi32, #tpu.memory_space<vmem>>
      %dma_wait3A_62 = tpu.memref_squeeze %dma_wait3A_61 : memref<1x1x104xi32, #tpu.memory_space<vmem>> -> memref<104xi32, #tpu.memory_space<vmem>>
      %dma_wait3A_63 = arith.constant 0 : i32
      %dma_wait3A_64 = arith.constant 0 : i32
      %dma_wait3A_65 = tpu.memref_slice %arg3[%dma_wait3A_63, %dma_wait3A_64] : memref<100000x320xbf16, #tpu.memory_space<hbm>> -> memref<100000x320xbf16, #tpu.memory_space<hbm>>
      tpu.wait_indirect_dma semaphore(%arg10 : memref<!tpu.dma_semaphore, #tpu.memory_space<semaphore_mem>>) src(%dma_wait3A_65 : memref<100000x320xbf16, #tpu.memory_space<hbm>>) dst(%arg7 : memref<104x320xbf16, #tpu.memory_space<vmem>>)
      %scan3A_66 = arith.constant 0 : i32
      %scan3A_67 = arith.constant 104 : i32
      %scan3A_68 = arith.addi %scan3A_66, %scan3A_67 : i32
      %scan3A_69 = arith.constant 1 : i32
      %scan3A_70:10 = scf.for %scan3A_133 = %scan3A_66 to %scan3A_68 step %scan3A_69 iter_args(%scan3A_134 = %scan3A_53#0, %scan3A_135 = %scan3A_53#1, %scan3A_136 = %scan3A_53#2, %scan3A_137 = %scan3A_53#3, %scan3A_138 = %scan3A_53#4, %scan3A_139 = %scan3A_53#5, %scan3A_140 = %scan3A_53#6, %scan3A_141 = %scan3A_53#7, %scan3A_142 = %scan3A_53#8, %scan3A_143 = %scan3A_53#9) -> (vector<32xbf16>, vector<32xbf16>, vector<32xbf16>, vector<32xbf16>, vector<32xbf16>, vector<32xbf16>, vector<32xbf16>, vector<32xbf16>, vector<32xbf16>, vector<32xbf16>)  : i32 {
        %get3A = arith.index_cast %scan3A_133 : i32 to index
        %get3A_144 = arith.constant 0 : index
        %get3A_145 = tpu.vector_load %arg7[%get3A, %get3A_144] {strides = array<i32>} : memref<104x320xbf16, #tpu.memory_space<vmem>>, vector<1x32xbf16>,
        %get3A_146 = vector.shape_cast %get3A_145 : vector<1x32xbf16> to vector<32xbf16>
        %max3A = arith.maximumf %scan3A_134, %get3A_146 : vector<32xbf16>
        %get3A_147 = arith.index_cast %scan3A_133 : i32 to index
        %get3A_148 = arith.constant 32 : index
        %get3A_149 = tpu.vector_load %arg7[%get3A_147, %get3A_148] {strides = array<i32>} : memref<104x320xbf16, #tpu.memory_space<vmem>>, vector<1x32xbf16>,
        %get3A_150 = vector.shape_cast %get3A_149 : vector<1x32xbf16> to vector<32xbf16>
        %max3A_151 = arith.maximumf %scan3A_135, %get3A_150 : vector<32xbf16>
        %get3A_152 = arith.index_cast %scan3A_133 : i32 to index
        %get3A_153 = arith.constant 64 : index
        %get3A_154 = tpu.vector_load %arg7[%get3A_152, %get3A_153] {strides = array<i32>} : memref<104x320xbf16, #tpu.memory_space<vmem>>, vector<1x32xbf16>,
        %get3A_155 = vector.shape_cast %get3A_154 : vector<1x32xbf16> to vector<32xbf16>
        %max3A_156 = arith.maximumf %scan3A_136, %get3A_155 : vector<32xbf16>
        %get3A_157 = arith.index_cast %scan3A_133 : i32 to index
        %get3A_158 = arith.constant 96 : index
        %get3A_159 = tpu.vector_load %arg7[%get3A_157, %get3A_158] {strides = array<i32>} : memref<104x320xbf16, #tpu.memory_space<vmem>>, vector<1x32xbf16>,
        %get3A_160 = vector.shape_cast %get3A_159 : vector<1x32xbf16> to vector<32xbf16>
        %max3A_161 = arith.maximumf %scan3A_137, %get3A_160 : vector<32xbf16>
        %get3A_162 = arith.index_cast %scan3A_133 : i32 to index
        %get3A_163 = arith.constant 128 : index
        %get3A_164 = tpu.vector_load %arg7[%get3A_162, %get3A_163] {strides = array<i32>} : memref<104x320xbf16, #tpu.memory_space<vmem>>, vector<1x32xbf16>,
        %get3A_165 = vector.shape_cast %get3A_164 : vector<1x32xbf16> to vector<32xbf16>
        %max3A_166 = arith.maximumf %scan3A_138, %get3A_165 : vector<32xbf16>
        %get3A_167 = arith.index_cast %scan3A_133 : i32 to index
        %get3A_168 = arith.constant 160 : index
        %get3A_169 = tpu.vector_load %arg7[%get3A_167, %get3A_168] {strides = array<i32>} : memref<104x320xbf16, #tpu.memory_space<vmem>>, vector<1x32xbf16>,
        %get3A_170 = vector.shape_cast %get3A_169 : vector<1x32xbf16> to vector<32xbf16>
        %max3A_171 = arith.maximumf %scan3A_139, %get3A_170 : vector<32xbf16>
        %get3A_172 = arith.index_cast %scan3A_133 : i32 to index
        %get3A_173 = arith.constant 192 : index
        %get3A_174 = tpu.vector_load %arg7[%get3A_172, %get3A_173] {strides = array<i32>} : memref<104x320xbf16, #tpu.memory_space<vmem>>, vector<1x32xbf16>,
        %get3A_175 = vector.shape_cast %get3A_174 : vector<1x32xbf16> to vector<32xbf16>
        %max3A_176 = arith.maximumf %scan3A_140, %get3A_175 : vector<32xbf16>
        %get3A_177 = arith.index_cast %scan3A_133 : i32 to index
        %get3A_178 = arith.constant 224 : index
        %get3A_179 = tpu.vector_load %arg7[%get3A_177, %get3A_178] {strides = array<i32>} : memref<104x320xbf16, #tpu.memory_space<vmem>>, vector<1x32xbf16>,
        %get3A_180 = vector.shape_cast %get3A_179 : vector<1x32xbf16> to vector<32xbf16>
        %max3A_181 = arith.maximumf %scan3A_141, %get3A_180 : vector<32xbf16>
        %get3A_182 = arith.index_cast %scan3A_133 : i32 to index
        %get3A_183 = arith.constant 256 : index
        %get3A_184 = tpu.vector_load %arg7[%get3A_182, %get3A_183] {strides = array<i32>} : memref<104x320xbf16, #tpu.memory_space<vmem>>, vector<1x32xbf16>,
        %get3A_185 = vector.shape_cast %get3A_184 : vector<1x32xbf16> to vector<32xbf16>
        %max3A_186 = arith.maximumf %scan3A_142, %get3A_185 : vector<32xbf16>
        %get3A_187 = arith.index_cast %scan3A_133 : i32 to index
        %get3A_188 = arith.constant 288 : index
        %get3A_189 = tpu.vector_load %arg7[%get3A_187, %get3A_188] {strides = array<i32>} : memref<104x320xbf16, #tpu.memory_space<vmem>>, vector<1x32xbf16>,
        %get3A_190 = vector.shape_cast %get3A_189 : vector<1x32xbf16> to vector<32xbf16>
        %max3A_191 = arith.maximumf %scan3A_143, %get3A_190 : vector<32xbf16>
        scf.yield %max3A, %max3A_151, %max3A_156, %max3A_161, %max3A_166, %max3A_171, %max3A_176, %max3A_181, %max3A_186, %max3A_191 : vector<32xbf16>, vector<32xbf16>, vector<32xbf16>, vector<32xbf16>, vector<32xbf16>, vector<32xbf16>, vector<32xbf16>, vector<32xbf16>, vector<32xbf16>, vector<32xbf16>
      }
      %scan3A_71 = arith.constant 104 : i32
      %add3A_72 = arith.constant 1 : i32
      %add3A_73 = arith.addi %scan3A_23, %add3A_72 : i32
      %lt3A_74 = arith.constant 128 : i32
      %lt3A_75 = arith.cmpi slt, %add3A_73, %lt3A_74 : i32
      %convert_element_type3A_76 = arith.extui %lt3A_75 : i1 to i32
      %cond3A_77 = arith.constant 0 : i32
      %cond3A_78 = arith.cmpi ne, %convert_element_type3A_76, %cond3A_77 : i32
      scf.if %cond3A_78 {
        %add3A_133 = arith.constant 1 : i32
        %add3A_134 = arith.addi %scan3A_23, %add3A_133 : i32
        %dma_start3A_135 = arith.constant 1 : i32
        %dma_start3A_136 = arith.constant 0 : i32
        %dma_start3A_137 = tpu.memref_slice %arg5[%add3A_134, %dma_start3A_135, %dma_start3A_136] : memref<128x2x104xi32, #tpu.memory_space<vmem>> -> memref<1x1x104xi32, #tpu.memory_space<vmem>>
        %dma_start3A_138 = tpu.memref_squeeze %dma_start3A_137 : memref<1x1x104xi32, #tpu.memory_space<vmem>> -> memref<104xi32, #tpu.memory_space<vmem>>
        %dma_start3A_139 = arith.constant 0 : i32
        %dma_start3A_140 = arith.constant 0 : i32
        %dma_start3A_141 = tpu.memref_slice %arg3[%dma_start3A_139, %dma_start3A_140] : memref<100000x320xbf16, #tpu.memory_space<hbm>> -> memref<100000x320xbf16, #tpu.memory_space<hbm>>
        tpu.enqueue_indirect_dma source(%dma_start3A_141 : memref<100000x320xbf16, #tpu.memory_space<hbm>>) target(%arg7 : memref<104x320xbf16, #tpu.memory_space<vmem>>) offsets(%dma_start3A_138 : memref<104xi32, #tpu.memory_space<vmem>>) semaphore(%arg10 : memref<!tpu.dma_semaphore, #tpu.memory_space<semaphore_mem>>)
      } else {
      }
      %rem3A = arith.constant 8 : i32
      %rem3A_79 = arith.remsi %scan3A_23, %rem3A : i32
      %swap3A = arith.index_cast %rem3A_79 : i32 to index
      %swap3A_80 = arith.constant 0 : index
      %swap3A_81 = tpu.vector_load %arg8[%swap3A, %swap3A_80] {strides = array<i32>} : memref<8x320xbf16, #tpu.memory_space<vmem>>, vector<1x32xbf16>,
      %swap3A_82 = vector.shape_cast %swap3A_81 : vector<1x32xbf16> to vector<32xbf16>
      %swap3A_83 = vector.shape_cast %scan3A_70#0 : vector<32xbf16> to vector<1x32xbf16>
      tpu.vector_store %arg8[%swap3A, %swap3A_80], %swap3A_83 {strides = array<i32>} : memref<8x320xbf16, #tpu.memory_space<vmem>>, vector<1x32xbf16>,
      %swap3A_84 = arith.index_cast %rem3A_79 : i32 to index
      %swap3A_85 = arith.constant 32 : index
      %swap3A_86 = tpu.vector_load %arg8[%swap3A_84, %swap3A_85] {strides = array<i32>} : memref<8x320xbf16, #tpu.memory_space<vmem>>, vector<1x32xbf16>,
      %swap3A_87 = vector.shape_cast %swap3A_86 : vector<1x32xbf16> to vector<32xbf16>
      %swap3A_88 = vector.shape_cast %scan3A_70#1 : vector<32xbf16> to vector<1x32xbf16>
      tpu.vector_store %arg8[%swap3A_84, %swap3A_85], %swap3A_88 {strides = array<i32>} : memref<8x320xbf16, #tpu.memory_space<vmem>>, vector<1x32xbf16>,
      %swap3A_89 = arith.index_cast %rem3A_79 : i32 to index
      %swap3A_90 = arith.constant 64 : index
      %swap3A_91 = tpu.vector_load %arg8[%swap3A_89, %swap3A_90] {strides = array<i32>} : memref<8x320xbf16, #tpu.memory_space<vmem>>, vector<1x32xbf16>,
      %swap3A_92 = vector.shape_cast %swap3A_91 : vector<1x32xbf16> to vector<32xbf16>
      %swap3A_93 = vector.shape_cast %scan3A_70#2 : vector<32xbf16> to vector<1x32xbf16>
      tpu.vector_store %arg8[%swap3A_89, %swap3A_90], %swap3A_93 {strides = array<i32>} : memref<8x320xbf16, #tpu.memory_space<vmem>>, vector<1x32xbf16>,
      %swap3A_94 = arith.index_cast %rem3A_79 : i32 to index
      %swap3A_95 = arith.constant 96 : index
      %swap3A_96 = tpu.vector_load %arg8[%swap3A_94, %swap3A_95] {strides = array<i32>} : memref<8x320xbf16, #tpu.memory_space<vmem>>, vector<1x32xbf16>,
      %swap3A_97 = vector.shape_cast %swap3A_96 : vector<1x32xbf16> to vector<32xbf16>
      %swap3A_98 = vector.shape_cast %scan3A_70#3 : vector<32xbf16> to vector<1x32xbf16>
      tpu.vector_store %arg8[%swap3A_94, %swap3A_95], %swap3A_98 {strides = array<i32>} : memref<8x320xbf16, #tpu.memory_space<vmem>>, vector<1x32xbf16>,
      %swap3A_99 = arith.index_cast %rem3A_79 : i32 to index
      %swap3A_100 = arith.constant 128 : index
      %swap3A_101 = tpu.vector_load %arg8[%swap3A_99, %swap3A_100] {strides = array<i32>} : memref<8x320xbf16, #tpu.memory_space<vmem>>, vector<1x32xbf16>,
      %swap3A_102 = vector.shape_cast %swap3A_101 : vector<1x32xbf16> to vector<32xbf16>
      %swap3A_103 = vector.shape_cast %scan3A_70#4 : vector<32xbf16> to vector<1x32xbf16>
      tpu.vector_store %arg8[%swap3A_99, %swap3A_100], %swap3A_103 {strides = array<i32>} : memref<8x320xbf16, #tpu.memory_space<vmem>>, vector<1x32xbf16>,
      %swap3A_104 = arith.index_cast %rem3A_79 : i32 to index
      %swap3A_105 = arith.constant 160 : index
      %swap3A_106 = tpu.vector_load %arg8[%swap3A_104, %swap3A_105] {strides = array<i32>} : memref<8x320xbf16, #tpu.memory_space<vmem>>, vector<1x32xbf16>,
      %swap3A_107 = vector.shape_cast %swap3A_106 : vector<1x32xbf16> to vector<32xbf16>
      %swap3A_108 = vector.shape_cast %scan3A_70#5 : vector<32xbf16> to vector<1x32xbf16>
      tpu.vector_store %arg8[%swap3A_104, %swap3A_105], %swap3A_108 {strides = array<i32>} : memref<8x320xbf16, #tpu.memory_space<vmem>>, vector<1x32xbf16>,
      %swap3A_109 = arith.index_cast %rem3A_79 : i32 to index
      %swap3A_110 = arith.constant 192 : index
      %swap3A_111 = tpu.vector_load %arg8[%swap3A_109, %swap3A_110] {strides = array<i32>} : memref<8x320xbf16, #tpu.memory_space<vmem>>, vector<1x32xbf16>,
      %swap3A_112 = vector.shape_cast %swap3A_111 : vector<1x32xbf16> to vector<32xbf16>
      %swap3A_113 = vector.shape_cast %scan3A_70#6 : vector<32xbf16> to vector<1x32xbf16>
      tpu.vector_store %arg8[%swap3A_109, %swap3A_110], %swap3A_113 {strides = array<i32>} : memref<8x320xbf16, #tpu.memory_space<vmem>>, vector<1x32xbf16>,
      %swap3A_114 = arith.index_cast %rem3A_79 : i32 to index
      %swap3A_115 = arith.constant 224 : index
      %swap3A_116 = tpu.vector_load %arg8[%swap3A_114, %swap3A_115] {strides = array<i32>} : memref<8x320xbf16, #tpu.memory_space<vmem>>, vector<1x32xbf16>,
      %swap3A_117 = vector.shape_cast %swap3A_116 : vector<1x32xbf16> to vector<32xbf16>
      %swap3A_118 = vector.shape_cast %scan3A_70#7 : vector<32xbf16> to vector<1x32xbf16>
      tpu.vector_store %arg8[%swap3A_114, %swap3A_115], %swap3A_118 {strides = array<i32>} : memref<8x320xbf16, #tpu.memory_space<vmem>>, vector<1x32xbf16>,
      %swap3A_119 = arith.index_cast %rem3A_79 : i32 to index
      %swap3A_120 = arith.constant 256 : index
      %swap3A_121 = tpu.vector_load %arg8[%swap3A_119, %swap3A_120] {strides = array<i32>} : memref<8x320xbf16, #tpu.memory_space<vmem>>, vector<1x32xbf16>,
      %swap3A_122 = vector.shape_cast %swap3A_121 : vector<1x32xbf16> to vector<32xbf16>
      %swap3A_123 = vector.shape_cast %scan3A_70#8 : vector<32xbf16> to vector<1x32xbf16>
      tpu.vector_store %arg8[%swap3A_119, %swap3A_120], %swap3A_123 {strides = array<i32>} : memref<8x320xbf16, #tpu.memory_space<vmem>>, vector<1x32xbf16>,
      %swap3A_124 = arith.index_cast %rem3A_79 : i32 to index
      %swap3A_125 = arith.constant 288 : index
      %swap3A_126 = tpu.vector_load %arg8[%swap3A_124, %swap3A_125] {strides = array<i32>} : memref<8x320xbf16, #tpu.memory_space<vmem>>, vector<1x32xbf16>,
      %swap3A_127 = vector.shape_cast %swap3A_126 : vector<1x32xbf16> to vector<32xbf16>
      %swap3A_128 = vector.shape_cast %scan3A_70#9 : vector<32xbf16> to vector<1x32xbf16>
      tpu.vector_store %arg8[%swap3A_124, %swap3A_125], %swap3A_128 {strides = array<i32>} : memref<8x320xbf16, #tpu.memory_space<vmem>>, vector<1x32xbf16>,
      %eq3A = arith.constant 7 : i32
      %eq3A_129 = arith.cmpi eq, %rem3A_79, %eq3A : i32
      %convert_element_type3A_130 = arith.extui %eq3A_129 : i1 to i32
      %cond3A_131 = arith.constant 0 : i32
      %cond3A_132 = arith.cmpi ne, %convert_element_type3A_130, %cond3A_131 : i32
      scf.if %cond3A_132 {
        %add3A_133 = arith.addi %multiple_of3A, %scan3A_23 : i32
        %sub3A = arith.constant 7 : i32
        %sub3A_134 = arith.subi %add3A_133, %sub3A : i32
        %multiple_of3A_135 = tpu.assume_multiple %sub3A_134, 8 : i32
        "tpu.region"() ({
          %run_scoped3A = tpu.sem_alloc : memref<!tpu.dma_semaphore, #tpu.memory_space<semaphore_mem>>
          %dma_start3A_136 = arith.constant 0 : i32
          %dma_start3A_137 = tpu.memref_slice %arg4[%multiple_of3A_135, %dma_start3A_136] : memref<4096x320xbf16, #tpu.memory_space<hbm>> -> memref<8x320xbf16, #tpu.memory_space<hbm>>
          %dma_start3A_138 = arith.constant 0 : i32
          %dma_start3A_139 = tpu.memref_slice %arg4[%multiple_of3A_135, %dma_start3A_138] : memref<4096x320xbf16, #tpu.memory_space<hbm>> -> memref<8x320xbf16, #tpu.memory_space<hbm>>
          tpu.enqueue_dma source(%arg8 : memref<8x320xbf16, #tpu.memory_space<vmem>>) target(%dma_start3A_139 : memref<8x320xbf16, #tpu.memory_space<hbm>>) target_semaphore(%run_scoped3A : memref<!tpu.dma_semaphore, #tpu.memory_space<semaphore_mem>>)
          %dma_wait3A_140 = arith.constant 0 : i32
          %dma_wait3A_141 = tpu.memref_slice %arg4[%multiple_of3A_135, %dma_wait3A_140] : memref<4096x320xbf16, #tpu.memory_space<hbm>> -> memref<8x320xbf16, #tpu.memory_space<hbm>>
          %dma_wait3A_142 = arith.constant 0 : i32
          %dma_wait3A_143 = tpu.memref_slice %arg4[%multiple_of3A_135, %dma_wait3A_142] : memref<4096x320xbf16, #tpu.memory_space<hbm>> -> memref<8x320xbf16, #tpu.memory_space<hbm>>
          tpu.wait_dma2 semaphore(%run_scoped3A : memref<!tpu.dma_semaphore, #tpu.memory_space<semaphore_mem>>) src(%arg8 : memref<8x320xbf16, #tpu.memory_space<vmem>>) dst(%dma_wait3A_143 : memref<8x320xbf16, #tpu.memory_space<hbm>>)
          tpu.yield
        }) : () -> ()
      } else {
      }
    }
    %scan3A_22 = arith.constant 128 : i32
    return
  }
}

module attributes {stable_mosaic.version = 14 : i64} {
  func.func @_mlp_body(%arg0: i32, %arg1: memref<256x300xf32, #tpu.memory_space<vmem>>, %arg2: memref<300x1000xf32, #tpu.memory_space<vmem>>, %arg3: memref<1x1000xf32, #tpu.memory_space<vmem>>, %arg4: memref<1000x1000xf32, #tpu.memory_space<vmem>>, %arg5: memref<1x1000xf32, #tpu.memory_space<vmem>>, %arg6: memref<256x1000xf32, #tpu.memory_space<vmem>>) attributes {dimension_semantics = [#tpu.dimension_semantics<arbitrary>], iteration_bounds = array<i64: 16>, scalar_prefetch = 0 : i64, scratch_operands = 0 : i64, tpu.core_type = #tpu.core_type<tc>, window_params = [{transform_indices = @transform_0, window_bounds = array<i64: 256, 300>}, {pipeline_mode = #tpu.pipeline_mode<synchronous>, transform_indices = @transform_1, window_bounds = array<i64: 300, 1000>}, {pipeline_mode = #tpu.pipeline_mode<synchronous>, transform_indices = @transform_2, window_bounds = array<i64: 1, 1000>}, {pipeline_mode = #tpu.pipeline_mode<synchronous>, transform_indices = @transform_3, window_bounds = array<i64: 1000, 1000>}, {pipeline_mode = #tpu.pipeline_mode<synchronous>, transform_indices = @transform_4, window_bounds = array<i64: 1, 1000>}, {transform_indices = @transform_5, window_bounds = array<i64: 256, 1000>}]} {
    %get3A = arith.constant 0 : index
    %get3A_0 = arith.constant 0 : index
    %get3A_1 = vector.load %arg1[%get3A, %get3A_0] : memref<256x300xf32, #tpu.memory_space<vmem>>, vector<256x300xf32>
    %get3A_2 = arith.constant 0 : index
    %get3A_3 = arith.constant 0 : index
    %get3A_4 = vector.load %arg2[%get3A_2, %get3A_3] : memref<300x1000xf32, #tpu.memory_space<vmem>>, vector<300x1000xf32>
    %dot_general3A = arith.constant dense<0.000000e+00> : vector<256x1000xf32>
    %dot_general3A_5 = tpu.matmul %get3A_1, %get3A_4, %dot_general3A {dimension_numbers = #tpu.dot_dimension_numbers<[1], [0], [0], [1], [0, 0, 1, 1], [], []>, transpose_lhs_hint = false} : vector<256x300xf32>, vector<300x1000xf32>, vector<256x1000xf32> -> vector<256x1000xf32>
    %get3A_6 = arith.constant 0 : index
    %get3A_7 = arith.constant 0 : index
    %get3A_8 = vector.load %arg3[%get3A_6, %get3A_7] : memref<1x1000xf32, #tpu.memory_space<vmem>>, vector<1x1000xf32>
    %add3A = vector.broadcast %get3A_8 : vector<1x1000xf32> to vector<256x1000xf32>
    %add3A_9 = arith.addf %dot_general3A_5, %add3A : vector<256x1000xf32>
    %max3A = arith.constant 0.000000e+00 : f32
    %max3A_10 = vector.broadcast %max3A : f32 to vector<256x1000xf32>
    %max3A_11 = arith.maximumf %add3A_9, %max3A_10 : vector<256x1000xf32>
    %get3A_12 = arith.constant 0 : index
    %get3A_13 = arith.constant 0 : index
    %get3A_14 = vector.load %arg4[%get3A_12, %get3A_13] : memref<1000x1000xf32, #tpu.memory_space<vmem>>, vector<1000x1000xf32>
    %dot_general3A_15 = arith.constant dense<0.000000e+00> : vector<256x1000xf32>
    %dot_general3A_16 = tpu.matmul %max3A_11, %get3A_14, %dot_general3A_15 {dimension_numbers = #tpu.dot_dimension_numbers<[1], [0], [0], [1], [0, 0, 1, 1], [], []>, transpose_lhs_hint = false} : vector<256x1000xf32>, vector<1000x1000xf32>, vector<256x1000xf32> -> vector<256x1000xf32>
    %get3A_17 = arith.constant 0 : index
    %get3A_18 = arith.constant 0 : index
    %get3A_19 = vector.load %arg5[%get3A_17, %get3A_18] : memref<1x1000xf32, #tpu.memory_space<vmem>>, vector<1x1000xf32>
    %add3A_20 = vector.broadcast %get3A_19 : vector<1x1000xf32> to vector<256x1000xf32>
    %add3A_21 = arith.addf %dot_general3A_16, %add3A_20 : vector<256x1000xf32>
    %neg3A = arith.constant 0.000000e+00 : f32
    %neg3A_22 = vector.broadcast %neg3A : f32 to vector<256x1000xf32>
    %neg3A_23 = arith.subf %neg3A_22, %add3A_21 : vector<256x1000xf32>
    %exp3A = math.exp %neg3A_23 : vector<256x1000xf32>
    %add3A_24 = arith.constant 1.000000e+00 : f32
    %add3A_25 = vector.broadcast %add3A_24 : f32 to vector<256x1000xf32>
    %add3A_26 = arith.addf %add3A_25, %exp3A : vector<256x1000xf32>
    %div3A = arith.constant 1.000000e+00 : f32
    %div3A_27 = vector.broadcast %div3A : f32 to vector<256x1000xf32>
    %div3A_28 = arith.divf %div3A_27, %add3A_26 : vector<256x1000xf32>
    %swap3A = arith.constant 0 : index
    %swap3A_29 = arith.constant 0 : index
    %swap3A_30 = vector.load %arg6[%swap3A, %swap3A_29] : memref<256x1000xf32, #tpu.memory_space<vmem>>, vector<256x1000xf32>
    tpu.vector_store %arg6[%swap3A, %swap3A_29], %div3A_28 {strides = array<i32>} : memref<256x1000xf32, #tpu.memory_space<vmem>>, vector<256x1000xf32>,
    return
  }
  func.func @transform_0(%arg0: i32) -> (i32, i32) {
    %c0_i32 = arith.constant 0 : i32
    %c0_i32_0 = arith.constant 0 : i32
    return %arg0, %c0_i32 : i32, i32
  }
  func.func @transform_1(%arg0: i32) -> (i32, i32) {
    %c0_i32 = arith.constant 0 : i32
    %c0_i32_0 = arith.constant 0 : i32
    %c0_i32_1 = arith.constant 0 : i32
    return %c0_i32, %c0_i32_0 : i32, i32
  }
  func.func @transform_2(%arg0: i32) -> (i32, i32) {
    %c0_i32 = arith.constant 0 : i32
    %c0_i32_0 = arith.constant 0 : i32
    %c0_i32_1 = arith.constant 0 : i32
    return %c0_i32, %c0_i32_0 : i32, i32
  }
  func.func @transform_3(%arg0: i32) -> (i32, i32) {
    %c0_i32 = arith.constant 0 : i32
    %c0_i32_0 = arith.constant 0 : i32
    %c0_i32_1 = arith.constant 0 : i32
    return %c0_i32, %c0_i32_0 : i32, i32
  }
  func.func @transform_4(%arg0: i32) -> (i32, i32) {
    %c0_i32 = arith.constant 0 : i32
    %c0_i32_0 = arith.constant 0 : i32
    %c0_i32_1 = arith.constant 0 : i32
    return %c0_i32, %c0_i32_0 : i32, i32
  }
  func.func @transform_5(%arg0: i32) -> (i32, i32) {
    %c0_i32 = arith.constant 0 : i32
    %c0_i32_0 = arith.constant 0 : i32
    return %arg0, %c0_i32 : i32, i32
  }
}

</mosaic_0001>

<sc_bundles>
// kernel: kernel.4.cloned.1.call-start
scs
__scs_entry_jumppad:
0x0: {  	(pc) =	sbr.rel $0x88, $3  }
0x1: {  	(tag) =	ssettag $0x0;
	lr =	simm.s32 $0x1  }
0x2: {  	[smem:$0x3F9B] =	sst lr;
	_ =	strace $0xD0000000  }
0x3: {  	_ = 	snop  }
0x4: {  	_ = 	snop  }
0x5: {  	_ = 	snop  }
0x6: {  	_ = 	snop  }
0x7: {  	_ = 	snop  }
__scs_overlays_trampoline_lowered:
0x8: {  	[smem:$0x3FAA] =	sst s0  }
0x9: {  	[smem:$0x3FAB] =	sst s1  }
0xa: {  	[smem:$0x3FAC] =	sst s2  }
0xb: {  	[smem:$0x3FAD] =	sst s3  }
0xc: {  	[smem:$0x3FAE] =	sst s4  }
0xd: {  	[smem:$0x3FAF] =	sst s5  }
0xe: {  	[smem:$0x3FB0] =	sst s6  }
0xf: {  	[smem:$0x3FB1] =	sst s7  }
0x10: {  	[smem:$0x3FB2] =	sst s8  }
0x11: {  	[smem:$0x3FB3] =	sst s9;
	s0 =	simm.s32 @!p0 $0x0  }
0x12: {  	s1 =	sld [smem:$0x3F99];
	s0 =	simm.s32 @p0 $0x1  }
0x13: {  	[smem:$0x3FB4] =	sst s0;
	s0 =	simm.s32 @!p1 $0x0  }
0x14: {  	s2 =	sld [smem:$0x3F98];
	s0 =	simm.s32 @p1 $0x1  }
0x15: {  	[smem:$0x3FB5] =	sst s0;
	s0 =	simm.s32 @!p2 $0x0  }
0x16: {  	s3 =	sld [smem:$0x3FDB];
	s0 =	simm.s32 @p2 $0x1  }
0x17: {  	s4 =	simm.s32 $0x1BF5;
	[smem:$0x3FB7] =	sst s0  }
0x18: {  	s0 =	sld [smem:$0x3F9A];
	_ =	swait.ge [sflag:s4], $0x0  }
0x19: {  	s7 =	sld [smem:$0x3F9B]  }
0x1a: {  	s8 =	sadd.s32 $0xFFFFE003, lr  }
0x1b: {  	s9 =	sadd.s32 $0xFFFFFEF7, lr;
	s5 =	simm.s32 $0xFFFFFFFF;
	p2 =	slt.u32 s8, $0xFFFFF086  }
0x1c: {  	p1 =	slt.u32 s9, $0xF7A;
	s5 =	simm.s32 @!p2 $0x0  }
0x1d: {  	s5 =	simm.s32 @p1 $0x1;
	p0 =	seq.s32 s7, s2  }
0x1e: {  	s7 =	smul.u32 @!p0 $0xF7A, s2;
	p2 =	seq.s32 @!p0 s5, $0x0  }
0x1f: {  	s9 =	smul.u32 $0xF7A, s1;
	s8 =	simm.s32 @!p0 $0x1BF5;
	p2 =	por !p2, p0  }
0x20: {  	[sflag:s8] =	ssyncset.s32 @!p0 $0xFFFFF086;
	s6 =	sadd.s32 @!p0 s3, s7;
	s7 =	simm.s32 @!p0 $0x108  }
0x21: {  	s3 =	sadd.s32 s3, s9;
	s6 =	sadd.s32 @!p0 $0x88, s6;
	s7 =	simm.s32 @p2 $0x1082  }
0x22: {  	[simem:s7], [sflag:s8] =	dma.local @!p0 [hbm:s6], $0xF7A  }
0x23: {  	s9 =	sor.u32 $0xD0000000, s2;
	s6 =	simm.s32 $0x108;
	_ =	swait.ge @!p0 [sflag:s8], $0x0  }
0x24: {  	s3 =	sadd.s32 $0x88, s3;
	s6 =	simm.s32 @!p1 $0x1082;
	[sflag:s4] =	ssyncset.s32 $0xFFFFF086  }
0x25: {  	[simem:s6], [sflag:s4] =	dma.local [hbm:s3], $0xF7A  }
0x26: {  	[smem:$0x3F9B] =	sst s1;
	(tag) =	ssettag s2;
	_ =	strace s9  }
0x27: {  	s1 =	sld [smem:$0x3FAB]  }
0x28: {  	s2 =	sld [smem:$0x3FAC]  }
0x29: {  	s4 =	sld [smem:$0x3FAE]  }
0x2a: {  	p0 =	seq.s32 s5, $0x0;
	s5 =	sld [smem:$0x3FAF]  }
0x2b: {  	s6 =	sld [smem:$0x3FB0]  }
0x2c: {  	s7 =	sld [smem:$0x3FB1]  }
0x2d: {  	s3 =	simm.s32 $0x108;
	s8 =	sld [smem:$0x3FB2]  }
0x2e: {  	s3 =	simm.s32 @!p0 $0x1082;
	s9 =	sld [smem:$0x3FB3]  }
0x2f: {  	lr =	sadd.s32 s0, s3;
	s0 =	sld [smem:$0x3FAA]  }
0x30: {  	s3 =	sld [smem:$0x3FAD]  }
0x31: {  	[smem:$0x3FB6] =	sst s10  }
0x32: {  	s10 =	sld [smem:$0x3FB4];
	_ =	sdelay $0x3  }
0x33: {  	p0 =	seq.s32 s10, $0x1;
	s10 =	sld [smem:$0x3FB6];
	_ =	sdelay $0x3  }
0x34: {  	[smem:$0x3FB6] =	sst s10  }
0x35: {  	s10 =	sld [smem:$0x3FB5];
	_ =	sdelay $0x3  }
0x36: {  	p1 =	seq.s32 s10, $0x1;
	s10 =	sld [smem:$0x3FB6];
	_ =	sdelay $0x3  }
0x37: {  	[smem:$0x3FB6] =	sst s10  }
0x38: {  	s10 =	sld [smem:$0x3FB7]  }
0x39: {  	_ = 	snop;
	(pc) =	sbr.ind lr, $3  }
0x3a: {  	_ = 	snop  }
0x3b: {  	_ = 	snop  }
0x3c: {  	p2 =	seq.s32 s10, $0x1;
	s10 =	sld [smem:$0x3FB6]  }
0x3d: {  	_ =	shalt  }
0x3e: {  	_ =	shalt  }
0x3f: {  	_ =	shalt  }
0x40: {  	_ =	shalt  }
0x41: {  	_ =	shalt  }
0x42: {  	_ =	shalt  }
0x43: {  	_ =	shalt  }
0x44: {  	_ =	shalt  }
0x45: {  	_ =	shalt  }
0x46: {  	_ =	shalt  }
0x47: {  	_ =	shalt  }
0x48: {  	_ =	shalt  }
0x49: {  	_ =	shalt  }
0x4a: {  	_ =	shalt  }
0x4b: {  	_ =	shalt  }
0x4c: {  	_ =	shalt  }
0x4d: {  	_ =	shalt  }
0x4e: {  	_ =	shalt  }
0x4f: {  	_ =	shalt  }
0x50: {  	_ =	shalt  }
0x51: {  	_ =	shalt  }
0x52: {  	_ =	shalt  }
0x53: {  	_ =	shalt  }
0x54: {  	_ =	shalt  }
0x55: {  	_ =	shalt  }
0x56: {  	_ =	shalt  }
0x57: {  	_ =	shalt  }
0x58: {  	_ =	shalt  }
0x59: {  	_ =	shalt  }
0x5a: {  	_ =	shalt  }
0x5b: {  	_ =	shalt  }
0x5c: {  	_ =	shalt  }
0x5d: {  	_ =	shalt  }
0x5e: {  	_ =	shalt  }
0x5f: {  	_ =	shalt  }
0x60: {  	_ =	shalt  }
0x61: {  	_ =	shalt  }
0x62: {  	_ =	shalt  }
0x63: {  	_ =	shalt  }
0x64: {  	_ =	shalt  }
0x65: {  	_ =	shalt  }
0x66: {  	_ =	shalt  }
0x67: {  	_ =	shalt  }
0x68: {  	_ =	shalt  }
0x69: {  	_ =	shalt  }
0x6a: {  	_ =	shalt  }
0x6b: {  	_ =	shalt  }
0x6c: {  	_ =	shalt  }
0x6d: {  	_ =	shalt  }
0x6e: {  	_ =	shalt  }
0x6f: {  	_ =	shalt  }
0x70: {  	_ =	shalt  }
0x71: {  	_ =	shalt  }
0x72: {  	_ =	shalt  }
0x73: {  	_ =	shalt  }
0x74: {  	_ =	shalt  }
0x75: {  	_ =	shalt  }
0x76: {  	_ =	shalt  }
0x77: {  	_ =	shalt  }
0x78: {  	_ =	shalt  }
0x79: {  	_ =	shalt  }
0x7a: {  	_ =	shalt  }
0x7b: {  	_ =	shalt  }
0x7c: {  	_ =	shalt  }
0x7d: {  	_ =	shalt  }
0x7e: {  	_ =	shalt  }
0x7f: {  	_ =	shalt  }
0x80: {  	_ =	shalt  }
0x81: {  	_ =	shalt  }
0x82: {  	_ =	shalt  }
0x83: {  	_ =	shalt  }
0x84: {  	_ =	shalt  }
0x85: {  	_ =	shalt  }
0x86: {  	_ =	shalt  }
0x87: {  	_ =	shalt  }
.Lfunc_end0:
.L_simem_size_0:
called_computation.2_lowered:
.L_overlay_start_0:
0x88: {  	s2 =	sld [smem:$0x3FD9]  }
0x89: {  	s3 =	sld [smem:$0x3FFE];
	_ =	sdelay $0x1  }
0x8a: {  	s1 =	srdreg.scid  }
0x8b: {  	s0 =	sand.u32 $0x1, s1  }
0x8c: {  	s17 =	sshll.u32 s0, $0xA;
	s2 =	sadd.s32 s3, s2  }
0x8d: {  	s2 =	sadd.s32 s2, s17  }
0x8e: {  	[smem:$0x3FC2] =	sst s2  }
0x8f: {  	_ = 	snop  }
0x90: {  	s2 =	sld [smem:$0x3FD0];
	(tm) =	ssettm $0x1  }
0x91: {  	s18 =	sld [smem:$0x3FFB];
	_ =	sdelay $0x3  }
0x92: {  	_ =	strace s18  }
0x93: {  	s3 =	sld [smem:$0x3FFC];
	_ =	sdelay $0x3  }
0x94: {  	_ =	strace s3  }
0x95: {  	s3 =	sld [smem:$0x3FFD];
	_ =	sdelay $0x3  }
0x96: {  	_ =	strace s3  }
0x97: {  	_ =	strace $0x8FFFFFFF  }
0x98: {  	s19 =	sld [smem:$0x3FDB];
	_ =	sdelay $0x1  }
0x99: {  	s4 =	simm.s32 $_scs_section_size  }
0x9a: {  	s5 =	simm.s32 $_size__tile_overlayer_lowered;
	s6 =	simm.s32 $_tile_overlayer_lowered  }
0x9b: {  	s22 =	simm.s32 $0x1BFF;
	s21 =	sshll.u32 s6, $0x1;
	s3 =	sadd.s32 s4, s19  }
0x9c: {  	s7 =	simm.s32 $0x0;
	s20 =	sshll.u32 s5, $0x1;
	s5 =	sadd.s32 s21, s3  }
0x9d: {  	[timem:s7], [sflag:s22] =	dma.local [hbm:s5], s20  }
0x9e: {  	_ =	swait.ge [sflag:s22], s20  }
0x9f: {  	s4 =	ssub.s32 $0x0, s20;
	[sflag:s22] =	ssyncset.done $0x0  }
0xa0: {  	[sflag:s22] =	ssyncadd.s32 s4;
	_ =	sdelay $0x1  }
0xa1: {  	s23 =	simm.s32 $0x1B8B  }
0xa2: {  	_ =	swait.ge [sflag:s23], $0x1  }
0xa3: {  	[sflag:s23] =	ssyncset.done $0x0  }
0xa4: {  	s25 =	simm.s32 $0x1B8E;
	s24 =	sld [smem:$0x3FFE];
	[sflag:s23] =	ssyncadd.s32 $0xFFFFFFFF  }
0xa5: {  	s26 =	simm.s32 $execute0_lowered;
	[smem:$0x3FD2] =	sst s25  }
0xa6: {  	s5 =	sshll.u32 s26, $0x1;
	_ =	strace $0x8000004C;
	[dreg:$0x1] =	wrdreg $0xFFFFFFFF  }
0xa7: {  	s28 =	simm.s32 $_size_execute0_lowered;
	s3 =	sadd.s32 s3, s5;
	[dreg:$0x0] =	wrdreg $0x0  }
0xa8: {  	s5 =	sshll.u32 s28, $0x1;
	[dreg:$0x2] =	wrdreg s3  }
0xa9: {  	[dreg:$0x3] =	wrdreg s5  }
0xaa: {  	[dreg:$0x4] =	wrdreg $0xC0  }
0xab: {  	_ =	task [dreg:s7], $0x5FFFF  }
0xac: {  	[dreg:$0x1] =	wrdreg $0xFFFFFFFF  }
0xad: {  	[dreg:$0x0] =	wrdreg $0x60  }
0xae: {  	[dreg:$0x2] =	wrdreg s2  }
0xaf: {  	[dreg:$0x3] =	wrdreg s24  }
0xb0: {  	[dreg:$0x4] =	wrdreg $0x9  }
0xb1: {  	_ =	task.clear_ibuf [dreg:s7], $0x5FFFF;
	_ =	strace $0x9000004C  }
0xb2: {  	s29 =	simm.s32 $0x9;
	_ =	strace $0x8000004E  }
0xb3: {  	_ =	swait.ge [sflag:s29], $0x1  }
0xb4: {  	[sflag:s29] =	ssyncadd.s32 $0xFFFFFFFF  }
0xb5: {  	_ =	strace $0x9000004E  }
0xb6: {  	_ =	sfence  }
0xb7: {  	s30 =	sld [smem:$0x0];
	_ =	sdelay $0x2  }
0xb8: {  	s31 =	sshll.u32 s1, $0xD;
	s1 =	sshrl.u32 s1, $0x2  }
0xb9: {  	s3 =	sand.u32 $0x4000, s31;
	s1 =	sadd.s32 s1, s30  }
0xba: {  	s0 =	sor.u32 s3, s0;
	s1 =	sshll.u32 s1, $0x11  }
0xbb: {  	s0 =	sor.u32 s1, s0  }
0xbc: {  	s0 =	sadd.s32 $0x8F2B, s0  }
0xbd: {  	[sflag:s0] =	ssyncadd.remote.s32 $0x1  }
0xbe: {  	_ =	sfence.sel $0xFFFF  }
0xbf: {  	[dreg:$0x0] =	wrdreg $0xFFFFFFFF;
	(pc) =	sbr.abs _section_cstart, $3  }
0xc0: {  	[dreg:$0x1] =	wrdreg $0xFFFFFFFF  }
0xc1: {  	_ =	task.clear_ibuf [dreg:s7], $0x2FFFF;
	_ =	strace $0x9FFFFFFF  }
0xc2: {  	(tm) =	ssettm $0x7FFFFFFF  }
0xc3: {  	_ =	shalt  }
tec
execute0_lowered:
.L_overlay_start_1:
0x0: {  	(tag) =	ssettag $0x1  }
0x1: {  	s6 =	rddreg [dreg:$0x0]  }
0x2: {  	s5 =	rddreg [dreg:$0x1];
	s2 =	srdreg.scid  }
0x3: {  	s0 =	rddreg [dreg:$0x2];
	s1 =	stileid.u32;
	s10 =	simm.s32 $0x6800  }
0x4: {  	s11 =	simm.s32 $0xA900;
	s12 =	simm.s32 $0x1;
	s13 =	simm.s32 $0x2  }
0x5: {  	s14 =	simm.s32 $0x0;
	s3 =	sand.u32 $0x1, s2;
	s2 =	simm.s32 $0x0  }
0x6: {  	s4 =	sshll.u32 s1, $0x8;
	s7 =	sshll.u32 s3, $0x7;
	[smem:$0x7FF] =	sst s2  }
0x7: {  	s8 =	ssub.s32 $0x2, s3;
	s3 =	sor.u32 s7, s4;
	_ =	strace $0x8000004D  }
0x8: {  	s31 =	sshrl.u32 s8, $0x1;
	s4 =	sadd.s32 $0x1600, s5;
	s9 =	smul.u32 $0x1A, s3  }
0x9: {  	s5 =	sadd.s32 $0x1E9C00, s5;
	s7 =	ssub.s32 s8, s31;
	s8 =	simm.s32 $0x3  }
0xa: {  	s7 =	smax.u32 s7, $0x1;
	s6 =	sadd.s32 s6, s9;
	s9 =	simm.s32 $0x68  }
.LBB2_1:
0xb: {  	[tilespmem:s2], [sflag:$0x3] =	stream.linear.gather [hbm4b:s6+s2], $0x6800, $0x38;
	[tilespmem:$0xEF00] =	vst v63  }
0xc: {  	_ =	swait.ge [sflag:s8], $0x6800  }
0xd: {  	[sflag:s8] =	ssyncset.done $0x0  }
0xe: {  	[sflag:s8] =	ssyncadd.s32 $0xFFFF9800  }
0xf: {  	[tilespmem:s10], [sflag:$0x1] =	stream.indirect.gather [hbm4b:s4+s9], $0xA0, s2, s9, $0xb8;
	[tilespmem:$0xEF00] =	vst v63  }
0x10: {  	s15 =	simm.s32 $0x0  }
0x11: {  	[tilespmem:s11], [sflag:$0x2] =	stream.indirect.gather [hbm4b:s4+s9], $0xA0, s9, s9, $0xb8;
	[tilespmem:$0xEF00] =	vst v63  }
.LBB2_2:
0x12: {  	_ =	swait.ge [sflag:s12], $0x4100  }
0x13: {  	[sflag:s12] =	ssyncset.done $0x0  }
0x14: {  	s18 =	simm.s32 $0x0;
	[sflag:s12] =	ssyncadd.s32 $0xFFFFBF00  }
0x15: {  	v0 =	vld [tilespmem:s18+$0x6890]  }
0x16: {  	v1 =	vld [tilespmem:s18+$0x6800]  }
0x17: {  	v2 =	vld [tilespmem:s18+$0x6810]  }
0x18: {  	v3 =	vld [tilespmem:s18+$0x6820]  }
0x19: {  	v4 =	vld [tilespmem:s18+$0x6830]  }
0x1a: {  	v10 =	vld [tilespmem:s18+$0x6840]  }
0x1b: {  	v5 =	vimm.bf16 $-Inf;
	v11 =	vld [tilespmem:s18+$0x6850]  }
0x1c: {  	v6 =	vimm.bf16 $-Inf;
	v7 =	vimm.bf16 $-Inf;
	v8 =	vimm.bf16 $-Inf;
	v12 =	vld [tilespmem:s18+$0x6860]  }
0x1d: {  	v9 =	vimm.bf16 $-Inf;
	v13 =	vld [tilespmem:s18+$0x6870];
	v0 =	vmax.bf16 v5, v0;
	v1 =	vmax.bf16 v5, v1  }
0x1e: {  	s17 =	simm.s32 $0xA0;
	s16 =	simm.s32 $0x500;
	v14 =	vld [tilespmem:s18+$0x6880];
	v2 =	vmax.bf16 v5, v2;
	v3 =	vmax.bf16 v5, v3;
	v4 =	vmax.bf16 v5, v4  }
.LBB2_3:
0x1f: {  	p0 =	sne.s32 s16, $0x10180;
	v15 =	vld [tilespmem:s17+$0x6890];
	v5 =	vmax.bf16 v5, v10  }
0x20: {  	v16 =	vld [tilespmem:s17+$0x6800];
	v6 =	vmax.bf16 v6, v11  }
0x21: {  	v17 =	vld [tilespmem:s17+$0x6810];
	v7 =	vmax.bf16 v7, v12  }
0x22: {  	v18 =	vld [tilespmem:s17+$0x6820];
	v8 =	vmax.bf16 v8, v13  }
0x23: {  	v19 =	vld [tilespmem:s17+$0x6830];
	v9 =	vmax.bf16 v9, v14  }
.Ltmp0:
0x24: {  	v10 =	vld [tilespmem:s17+$0x6840];
	v0 =	vmax.bf16 v0, v15;
	(pc) =	sbr.rel @p0 .LBB2_3-.Ltmp0, $4  }
0x25: {  	v1 =	vmax.bf16 v1, v16;
	v11 =	vld [tilespmem:s17+$0x6850]  }
0x26: {  	v2 =	vmax.bf16 v2, v17;
	v12 =	vld [tilespmem:s17+$0x6860]  }
0x27: {  	v3 =	vmax.bf16 v3, v18;
	v13 =	vld [tilespmem:s17+$0x6870]  }
0x28: {  	v4 =	vmax.bf16 v4, v19;
	v14 =	vld [tilespmem:s17+$0x6880];
	s17 =	sshra.s32 s16, $0x2;
	s16 =	sadd.s32 $0x280, s16  }
0x29: {  	v15 =	vld [tilespmem:s17+$0x6890]  }
0x2a: {  	v16 =	vld [tilespmem:s17+$0x6800]  }
0x2b: {  	v17 =	vld [tilespmem:s17+$0x6810]  }
0x2c: {  	v18 =	vld [tilespmem:s17+$0x6820]  }
0x2d: {  	v19 =	vld [tilespmem:s17+$0x6830]  }
0x2e: {  	v20 =	vld [tilespmem:s17+$0x6840]  }
0x2f: {  	v21 =	vld [tilespmem:s17+$0x6850];
	s16 =	sadd.s32 $0x1, s15;
	p0 =	seq.s32 s15, $0x7F  }
0x30: {  	v22 =	vld [tilespmem:s17+$0x6860];
	s18 =	smul.u32 @!p0 $0x340, s16  }
0x31: {  	v23 =	vld [tilespmem:s17+$0x6870]  }
0x32: {  	v24 =	vld [tilespmem:s17+$0x6880];
	s19 =	simm.s32 @!p0 $0x6800;
	s17 =	sshra.s32 @!p0 s18, $0x2;
	s18 =	simm.s32 @!p0 $0x68  }
0x33: {  	[tilespmem:s19], [sflag:$0x1] =	stream.indirect.gather @!p0 [hbm4b:s4+s18], $0xA0, s17, s18, $0xb8;
	[tilespmem:$0xEF00] =	vst v63  }
0x34: {  	_ =	swait.ge [sflag:s13], $0x4100  }
0x35: {  	[sflag:s13] =	ssyncset.done $0x0  }
0x36: {  	s20 =	simm.s32 $0x0;
	[sflag:s13] =	ssyncadd.s32 $0xFFFFBF00  }
0x37: {  	v25 =	vld [tilespmem:s20+$0xA990]  }
0x38: {  	v26 =	vld [tilespmem:s20+$0xA900]  }
0x39: {  	v27 =	vld [tilespmem:s20+$0xA910]  }
0x3a: {  	v5 =	vmax.bf16 v5, v10;
	v10 =	vmax.bf16 v6, v11;
	v11 =	vld [tilespmem:s20+$0xA920]  }
0x3b: {  	v12 =	vmax.bf16 v7, v12;
	v8 =	vmax.bf16 v8, v13;
	v9 =	vmax.bf16 v9, v14;
	v14 =	vld [tilespmem:s20+$0xA930]  }
0x3c: {  	v0 =	vmax.bf16 v0, v15;
	v13 =	vmax.bf16 v1, v16;
	v15 =	vmax.bf16 v2, v17;
	v6 =	vld [tilespmem:s20+$0xA940]  }
0x3d: {  	v62 =	vmax.bf16 v3, v18;
	v63 =	vmax.bf16 v4, v19;
	v5 =	vmax.bf16 v5, v20;
	v7 =	vld [tilespmem:s20+$0xA950]  }
0x3e: {  	v4 =	vmax.bf16 v10, v21;
	v3 =	vmax.bf16 v12, v22;
	v2 =	vmax.bf16 v8, v23;
	v8 =	vld [tilespmem:s20+$0xA960]  }
0x3f: {  	v1 =	vmax.bf16 v9, v24;
	v9 =	vld [tilespmem:s20+$0xA970];
	v0 =	vmax.bf16 v0, v25;
	v12 =	vmax.bf16 v13, v26  }
0x40: {  	s18 =	simm.s32 $0xA0;
	s19 =	simm.s32 $0x500;
	v13 =	vmax.bf16 v15, v27;
	v10 =	vmax.bf16 v62, v11;
	v11 =	vmax.bf16 v63, v14;
	v14 =	vld [tilespmem:s20+$0xA980]  }
.LBB2_5:
0x41: {  	p1 =	sne.s32 s19, $0x10180;
	v15 =	vld [tilespmem:s18+$0xA990];
	v5 =	vmax.bf16 v5, v6  }
0x42: {  	v16 =	vld [tilespmem:s18+$0xA900];
	v4 =	vmax.bf16 v4, v7  }
0x43: {  	v17 =	vld [tilespmem:s18+$0xA910];
	v3 =	vmax.bf16 v3, v8  }
0x44: {  	v18 =	vld [tilespmem:s18+$0xA920];
	v2 =	vmax.bf16 v2, v9  }
0x45: {  	v19 =	vld [tilespmem:s18+$0xA930];
	v1 =	vmax.bf16 v1, v14  }
.Ltmp1:
0x46: {  	v6 =	vld [tilespmem:s18+$0xA940];
	v0 =	vmax.bf16 v0, v15;
	(pc) =	sbr.rel @p1 .LBB2_5-.Ltmp1, $4  }
0x47: {  	v12 =	vmax.bf16 v12, v16;
	v7 =	vld [tilespmem:s18+$0xA950]  }
0x48: {  	v13 =	vmax.bf16 v13, v17;
	v8 =	vld [tilespmem:s18+$0xA960]  }
0x49: {  	v10 =	vmax.bf16 v10, v18;
	v9 =	vld [tilespmem:s18+$0xA970]  }
0x4a: {  	v11 =	vmax.bf16 v11, v19;
	v14 =	vld [tilespmem:s18+$0xA980];
	s18 =	sshra.s32 s19, $0x2;
	s19 =	sadd.s32 $0x280, s19  }
0x4b: {  	v15 =	vld [tilespmem:s18+$0xA990]  }
0x4c: {  	v16 =	vld [tilespmem:s18+$0xA900]  }
0x4d: {  	v17 =	vld [tilespmem:s18+$0xA910]  }
0x4e: {  	v18 =	vld [tilespmem:s18+$0xA920]  }
0x4f: {  	v19 =	vld [tilespmem:s18+$0xA930]  }
0x50: {  	v20 =	vld [tilespmem:s18+$0xA940]  }
0x51: {  	v21 =	vld [tilespmem:s18+$0xA950]  }
0x52: {  	v22 =	vld [tilespmem:s18+$0xA960]  }
0x53: {  	v23 =	vld [tilespmem:s18+$0xA970];
	s17 =	sadd.s32 @!p0 $0x68, s17;
	s19 =	sand.u32 $0x7, s15  }
0x54: {  	v24 =	vld [tilespmem:s18+$0xA980];
	s18 =	simm.s32 @!p0 $0x68;
	s20 =	simm.s32 @!p0 $0xA900;
	s21 =	smul.u32 $0x280, s19  }
0x55: {  	[tilespmem:s20], [sflag:$0x2] =	stream.indirect.gather @!p0 [hbm4b:s4+s18], $0xA0, s17, s18, $0xb8;
	[tilespmem:$0xEF00] =	vst v63  }
0x56: {  	s31 =	sshrl.u32 s21, $0x2;
	v12 =	vmax.bf16 v12, v16  }
0x57: {  	v13 =	vmax.bf16 v13, v17;
	[tilespmem:s31+$0xEA00] =	vst v12  }
0x58: {  	v10 =	vmax.bf16 v10, v18;
	[tilespmem:s31+$0xEA10] =	vst v13  }
0x59: {  	v5 =	vmax.bf16 v5, v6;
	v63 =	vmax.bf16 v11, v19;
	[tilespmem:s31+$0xEA20] =	vst v10  }
0x5a: {  	v4 =	vmax.bf16 v4, v7;
	p0 =	sne.s32 s19, $0x7;
	v5 =	vmax.bf16 v5, v20;
	[tilespmem:s31+$0xEA30] =	vst v63  }
0x5b: {  	v3 =	vmax.bf16 v3, v8;
	s15 =	sadd.s32 @!p0 s3, s15;
	v4 =	vmax.bf16 v4, v21;
	[tilespmem:s31+$0xEA40] =	vst v5  }
0x5c: {  	v2 =	vmax.bf16 v2, v9;
	s15 =	smul.u32 @!p0 $0x140, s15;
	v3 =	vmax.bf16 v3, v22;
	[tilespmem:s31+$0xEA50] =	vst v4  }
0x5d: {  	v1 =	vmax.bf16 v1, v14;
	v2 =	vmax.bf16 v2, v23;
	[tilespmem:s31+$0xEA60] =	vst v3  }
0x5e: {  	v1 =	vmax.bf16 v1, v24;
	s15 =	sadd.s32 @!p0 $0xFFFFF740, s15;
	[tilespmem:s31+$0xEA70] =	vst v2  }
0x5f: {  	p1 =	sne.s32 s16, $0x80;
	v0 =	vmax.bf16 v0, v15;
	[tilespmem:s31+$0xEA80] =	vst v1;
	s15 =	sshrl.u32 @!p0 s15, $0x4  }
0x60: {  	s17 =	simm.s32 @!p0 $0x0;
	s18 =	simm.s32 @!p0 $0xEA00;
	[tilespmem:s31+$0xEA90] =	vst v0;
	s15 =	sadd.s32 @!p0 s5, s15  }
0x61: {  	[hbm4b:s15+s17] =	stream.linear.scatter @!p0 [tilespmem:s18], [sflag:$0x3], $0x500, $0x38;
	[tilespmem:$0xEF00] =	vst v63  }
.Ltmp2:
0x62: {  	_ = 	snop;
	(pc) =	sbr.rel @p1 .LBB2_2-.Ltmp2, $4  }
0x63: {  	s15 =	simm.s32 @!p0 $0x3  }
0x64: {  	_ =	swait.ge @!p0 [sflag:s15], $0x500  }
0x65: {  	[sflag:s15] =	ssyncset.done @!p0 $0x0  }
0x66: {  	[sflag:s15] =	ssyncadd.s32 @!p0 $0xFFFFFB00;
	s15 =	smov.u32 s16  }
0x67: {  	s14 =	sadd.s32 $0x1, s14  }
0x68: {  	p0 =	sne.s32 s14, s7  }
.Ltmp3:
0x69: {  	_ = 	snop;
	(pc) =	sbr.rel @p0 .LBB2_1-.Ltmp3, $1  }
0x6a: {  	_ =	sdelay $0x3  }
0x6b: {  	_ =	sfence.sel $0x180000  }
0x6c: {  	[bflag:$0x0] =	sbarrier.arrive $0xFFFF  }
0x6d: {  	p0 =	sne.s32 s1, $0x0;
	_ =	strace $0x9000004D  }
0x6e: {  	s0 =	sadd.s32 @!p0 $0x100000, s0;
	[bflag:$0x2] =	sbarrier.arrive $0xFFFF  }
0x6f: {  	[sflag:s0] =	ssyncadd.tile.s32 @!p0 $0x1;
	_ =	shalt  }
.Lfunc_end2:
_tile_overlayer_lowered:
.L_overlay_start_2:
0x70: {  	(tag) =	ssettag $0x2  }
0x71: {  	s0 =	rddreg [dreg:$0x0];
	s2 =	stileid.u32  }
0x72: {  	s1 =	rddreg [dreg:$0x1];
	p0 =	sne.s32 s2, $0x0  }
0x73: {  	s3 =	rddreg [dreg:$0x2];
	[bflag:$0x3] =	sbarrier.arrive $0xFFFF;
	s2 =	simm.s32 @!p0 $0x1C03  }
0x74: {  	[timem:s3], [sflag:s2] =	dma.local @!p0 [hbm:s0], s1  }
0x75: {  	s0 =	simm.s32 @!p0 $0x3  }
0x76: {  	_ =	swait.ge @!p0 [sflag:s0], s1  }
0x77: {  	s1 =	ssub.s32 @!p0 $0x0, s1;
	[sflag:s0] =	ssyncset.done @!p0 $0x0  }
0x78: {  	[sflag:s0] =	ssyncadd.s32 @!p0 s1  }
0x79: {  	[bflag:$0x3] =	sbarrier.arrive $0xFFFF  }
0x7a: {  	_ =	shalt  }

// kernel: sparse-core-data-format-call.1.cloned.1.call-start
scs
called_computation.1_lowered:
.L_overlay_start_0:
0x0: {  	s1 =	sld [smem:$0x3FD9]  }
0x1: {  	s2 =	sld [smem:$0x3FFE];
	_ =	sdelay $0x1  }
0x2: {  	s3 =	srdreg.scid  }
0x3: {  	s0 =	sand.u32 $0x1, s3  }
0x4: {  	s17 =	sshll.u32 s0, $0xA;
	s1 =	sadd.s32 s2, s1  }
0x5: {  	s1 =	sadd.s32 s1, s17  }
0x6: {  	[smem:$0x3FC2] =	sst s1  }
0x7: {  	_ = 	snop  }
0x8: {  	(tm) =	ssettm $0x1  }
0x9: {  	s18 =	sld [smem:$0x3FFB];
	_ =	sdelay $0x3  }
0xa: {  	_ =	strace s18  }
0xb: {  	s1 =	sld [smem:$0x3FFC];
	_ =	sdelay $0x3  }
0xc: {  	_ =	strace s1  }
0xd: {  	s1 =	sld [smem:$0x3FFD];
	_ =	sdelay $0x3  }
0xe: {  	_ =	strace s1  }
0xf: {  	_ =	strace $0x8FFFFFFF  }
0x10: {  	s19 =	sld [smem:$0x3FDB];
	_ =	sdelay $0x1  }
0x11: {  	s20 =	simm.s32 $_scs_section_size  }
0x12: {  	s4 =	simm.s32 $_size__tile_overlayer_lowered;
	s5 =	simm.s32 $_tile_overlayer_lowered  }
0x13: {  	s23 =	simm.s32 $0x1BFF;
	s22 =	sshll.u32 s5, $0x1;
	s1 =	sadd.s32 s20, s19  }
0x14: {  	s6 =	simm.s32 $0x0;
	s21 =	sshll.u32 s4, $0x1;
	s4 =	sadd.s32 s22, s1  }
0x15: {  	[timem:s6], [sflag:s23] =	dma.local [hbm:s4], s21  }
0x16: {  	_ =	swait.ge [sflag:s23], s21  }
0x17: {  	s2 =	ssub.s32 $0x0, s21;
	[sflag:s23] =	ssyncset.done $0x0  }
0x18: {  	[sflag:s23] =	ssyncadd.s32 s2;
	_ =	sdelay $0x1  }
0x19: {  	s24 =	simm.s32 $0x1B8B  }
0x1a: {  	_ =	swait.ge [sflag:s24], $0x1  }
0x1b: {  	[sflag:s24] =	ssyncset.done $0x0  }
0x1c: {  	s26 =	simm.s32 $0x1B8E;
	s25 =	sld [smem:$0x3FFE];
	[sflag:s24] =	ssyncadd.s32 $0xFFFFFFFF  }
0x1d: {  	s27 =	simm.s32 $execute0_lowered;
	[smem:$0x3FD2] =	sst s26  }
0x1e: {  	s4 =	sshll.u32 s27, $0x1;
	_ =	strace $0x80000046;
	[dreg:$0x1] =	wrdreg $0xFFFFFFFF  }
0x1f: {  	s28 =	simm.s32 $_size_execute0_lowered;
	s1 =	sadd.s32 s1, s4;
	[dreg:$0x0] =	wrdreg $0x0  }
0x20: {  	s4 =	sshll.u32 s28, $0x1;
	[dreg:$0x2] =	wrdreg s1  }
0x21: {  	[dreg:$0x3] =	wrdreg s4  }
0x22: {  	[dreg:$0x4] =	wrdreg $0xC0  }
0x23: {  	_ =	task [dreg:s6], $0x5FFFF  }
0x24: {  	[dreg:$0x1] =	wrdreg $0xFFFFFFFF  }
0x25: {  	[dreg:$0x0] =	wrdreg $0x60  }
0x26: {  	[dreg:$0x2] =	wrdreg s25  }
0x27: {  	[dreg:$0x3] =	wrdreg $0x9  }
0x28: {  	_ =	task.clear_ibuf [dreg:s6], $0x4FFFF;
	_ =	strace $0x90000046  }
0x29: {  	s29 =	simm.s32 $0x9;
	_ =	strace $0x80000048  }
0x2a: {  	_ =	swait.ge [sflag:s29], $0x1  }
0x2b: {  	[sflag:s29] =	ssyncadd.s32 $0xFFFFFFFF  }
0x2c: {  	_ =	strace $0x90000048  }
0x2d: {  	_ =	sfence  }
0x2e: {  	s30 =	sld [smem:$0x0];
	_ =	sdelay $0x2  }
0x2f: {  	s31 =	sshll.u32 s3, $0xD;
	s3 =	sshrl.u32 s3, $0x2  }
0x30: {  	s2 =	sand.u32 $0x4000, s31;
	s1 =	sadd.s32 s3, s30  }
0x31: {  	s0 =	sor.u32 s2, s0;
	s1 =	sshll.u32 s1, $0x11  }
0x32: {  	s0 =	sor.u32 s1, s0  }
0x33: {  	s0 =	sadd.s32 $0x8F2B, s0  }
0x34: {  	[sflag:s0] =	ssyncadd.remote.s32 $0x1  }
0x35: {  	_ =	sfence.sel $0xFFFF  }
0x36: {  	[dreg:$0x0] =	wrdreg $0xFFFFFFFF;
	(pc) =	sbr.abs _section_cstart, $3  }
0x37: {  	[dreg:$0x1] =	wrdreg $0xFFFFFFFF  }
0x38: {  	_ =	task.clear_ibuf [dreg:s6], $0x2FFFF;
	_ =	strace $0x9FFFFFFF  }
0x39: {  	(tm) =	ssettm $0x7FFFFFFF  }
tec
execute0_lowered:
.L_overlay_start_1:
0x0: {  	(tag) =	ssettag $0x1  }
0x1: {  	s0 =	srdreg.scid  }
0x2: {  	s0 =	sshll.u32 s0, $0x4  }
0x3: {  	s1 =	stileid.u32;
	s0 =	sand.u32 $0x10, s0  }
0x4: {  	s0 =	sor.u32 s1, s0  }
0x5: {  	s29 =	rddreg [dreg:$0x0];
	_ =	strace $0x80000047;
	s3 =	sshll.u32 s0, $0x8  }
0x6: {  	s2 =	simm.s32 $0x1;
	s30 =	simm.s32 $0x2;
	s0 =	ssub.s32 $0x18600, s3  }
0x7: {  	s14 =	simm.s32 $0x0;
	s13 =	simm.s32 $0x0;
	s0 =	sshrl.u32 s0, $0xD  }
0x8: {  	s8 =	simm.s32 $0x0;
	s4 =	sadd.s32 $0x1600, s29;
	s0 =	smul.u32 $0x3, s0  }
.Ltmp0:
0x9: {  	[dreg:$0x3] =	wrdreg s4;
	s1 =	sadd.s32 $0x1D1C00, s29;
	(pc) =	sbr.rel .LBB1_1-.Ltmp0, $4  }
0xa: {  	s10 =	simm.s32 $0x0;
	s12 =	simm.s32 $0x0;
	[dreg:$0x4] =	wrdreg s1  }
0xb: {  	s11 =	simm.s32 $0x0;
	[dreg:$0x2] =	wrdreg s3;
	s31 =	sadd.s32 $0x3, s0  }
0xc: {  	[sflag:s2] =	ssyncpa.u1 $0x0;
	s7 =	sadd.s32 $0x4, s0;
	[dreg:$0x5] =	wrdreg s31  }
0xd: {  	[sflag:s30] =	ssyncpa.u1 $0x0;
	s9 =	smov.u32 s3;
	[dreg:$0x6] =	wrdreg s7  }
.LBB1_12:
0xe: {  	s8 =	rddreg [dreg:$0x7]  }
0xf: {  	s10 =	rddreg [dreg:$0x9]  }
0x10: {  	s4 =	rddreg [dreg:$0xf]  }
0x11: {  	s5 =	rddreg [dreg:$0xd]  }
0x12: {  	s29 =	rddreg [dreg:$0x4]  }
0x13: {  	s30 =	rddreg [dreg:$0xe];
	s0 =	sshrl.u32 s8, $0x3  }
0x14: {  	s1 =	sshll.u32 s10, $0x3;
	s2 =	sshll.u32 s8, $0x7;
	s20 =	sshll.u32 s10, $0x1  }
0x15: {  	s22 =	sand.u32 $0x1, s8;
	p0 =	sgt.s32 s8, $0x185A0;
	s3 =	smov.u32 s10  }
0x16: {  	s0 =	smul.u32 $0xC00, s0;
	s19 =	sand.u32 $0x300, s2;
	s2 =	smov.u32 s8  }
0x17: {  	s1 =	sand.u32 $0xFFFFFC00, s1;
	s2 =	simm.s32 @!p0 $0x185A0;
	p0 =	sgt.s32 s10, $0x100  }
0x18: {  	s21 =	sand.u32 $0xFE, s20;
	s0 =	sadd.s32 s1, s0;
	s3 =	simm.s32 @!p0 $0x100  }
0x19: {  	s2 =	sadd.s32 s4, s2;
	s0 =	sor.u32 s19, s0;
	s3 =	sadd.s32 s5, s3  }
0x1a: {  	s24 =	sadd.s32 $0xFFFE7A60, s2;
	s2 =	ssub.s32 $0x186A0, s2;
	s0 =	sor.u32 s21, s0  }
0x1b: {  	p0 =	sgt.s32 s24, $0xFF;
	s1 =	sor.u32 s22, s0;
	s0 =	smulhi.u32 $0xAAAAAAAB, s0  }
0x1c: {  	s25 =	sadd.s32 $0xFFFFFF00, s3;
	s3 =	ssub.s32 $0x180, s3;
	s2 =	simm.s32 @p0 $0x0  }
0x1d: {  	p0 =	sgt.s32 s25, $0x7F;
	s23 =	smulhi.u32 $0xAAAAAAAB, s1;
	s0 =	sshrl.u32 s0, $0x8  }
0x1e: {  	s7 =	rddreg [dreg:$0x6];
	s3 =	simm.s32 @p0 $0x0;
	s26 =	smulhi.u32 $0x14F8B59, s0  }
0x1f: {  	s9 =	rddreg [dreg:$0x8];
	s2 =	smul.u32 s3, s2;
	s27 =	sshrl.u32 s23, $0x8  }
0x20: {  	s11 =	rddreg [dreg:$0xa];
	s3 =	smul.u32 $0x180, s27;
	s28 =	sshrl.u32 s26, $0x9  }
0x21: {  	s13 =	rddreg [dreg:$0xb];
	s4 =	smul.u32 $0x186A0, s28  }
0x22: {  	s31 =	simm.s32 $0x600;
	s14 =	rddreg [dreg:$0xc]  }
0x23: {  	s2 =	sshrl.u32 s2, $0x1;
	s1 =	ssub.s32 s1, s3;
	s0 =	ssub.s32 s0, s4  }
0x24: {  	s3 =	sshrl.u32 s1, $0x4;
	s1 =	sshll.u32 s1, $0x11;
	s0 =	smul.u32 $0x18, s0  }
0x25: {  	s2 =	sand.u32 $0x3FFFFFFF, s2;
	s3 =	sadd.s32 s29, s3;
	s1 =	sand.u32 $0x1C0000, s1  }
0x26: {  	s4 =	sor.u32 $0x8000, s30;
	s1 =	sor.u32 $0x200, s1;
	s0 =	sadd.s32 s0, s3  }
0x27: {  	[hbm4b:s0+s1] =	stream.strided.scatter [tilespmem:s4], [sflag:$0x2], s2, s31, s1, $0x20;
	[tilespmem:$0x10100] =	vst v63  }
.LBB1_13:
0x28: {  	p0 =	slt.u32 s11, $0x2  }
0x29: {  	s1 =	smov.u32 s14;
	s2 =	smov.u32 s13;
	p1 =	sgt.s32 @!p0 s14, $0x185A0  }
0x2a: {  	s0 =	sshra.s32 @!p0 s14, $0x1F;
	p2 =	sgt.s32 @!p0 s13, $0x100;
	s3 =	sshra.s32 @!p0 s13, $0x1F  }
0x2b: {  	p1 =	por !p1, p0;
	s0 =	sand.u32 @!p0 s0, s14;
	p2 =	por !p2, p0  }
0x2c: {  	s3 =	sand.u32 @!p0 s3, s13;
	s1 =	simm.s32 @p1 $0x185A0;
	s2 =	simm.s32 @p2 $0x100  }
0x2d: {  	s0 =	ssub.s32 @!p0 s1, s0;
	s1 =	ssub.s32 @!p0 s2, s3  }
0x2e: {  	s2 =	sadd.s32 @!p0 $0xFFFE7A60, s0;
	s3 =	sadd.s32 @!p0 $0xFFFFFF00, s1  }
0x2f: {  	s0 =	ssub.s32 @!p0 $0x186A0, s0;
	p1 =	sgt.s32 @!p0 s2, $0xFF;
	p2 =	sgt.s32 @!p0 s3, $0x7F  }
0x30: {  	s1 =	ssub.s32 @!p0 $0x180, s1;
	p1 =	por !p1, p0;
	p2 =	por !p2, p0  }
0x31: {  	s0 =	simm.s32 @!p1 $0x0;
	s1 =	simm.s32 @!p2 $0x0  }
0x32: {  	s0 =	smul.u32 @!p0 s1, s0;
	_ =	sdelay $0x1  }
0x33: {  	s4 =	smov.u32 s12;
	s0 =	sshrl.u32 @!p0 s0, $0x1  }
0x34: {  	s2 =	simm.s32 @!p0 $0x2;
	s1 =	sadd.s32 $0x2000, s9;
	s0 =	sand.u32 @!p0 $0x3FFFFFFF, s0  }
0x35: {  	s3 =	sadd.s32 $0x80, s12;
	p1 =	sgt.s32 s1, $0x1869F;
	_ =	swait.ge @!p0 [sflag:s2], s0  }
0x36: {  	s4 =	smov.u32 @p1 s3;
	s3 =	rddreg [dreg:$0x2]  }
0x37: {  	s1 =	smov.u32 @p1 s3;
	p1 =	sgt.s32 s4, $0x12B  }
0x38: {  	s4 =	simm.s32 @p1 $0x0;
	p1 =	sne.s32 s11, s7  }
.Ltmp1:
0x39: {  	_ = 	snop;
	(pc) =	sbr.rel @!p1 .LBB1_14-.Ltmp1, $4  }
0x3a: {  	s14 =	smov.u32 s8  }
0x3b: {  	s13 =	smov.u32 s10;
	s0 =	ssub.s32 @!p0 $0x0, s0;
	[sflag:s2] =	ssyncset.done @!p0 $0x0  }
0x3c: {  	s8 =	smov.u32 s9;
	s10 =	smov.u32 s12;
	[sflag:s2] =	ssyncadd.s32 @!p0 s0  }
0x3d: {  	s11 =	sadd.s32 $0x1, s11;
	s9 =	smov.u32 s1;
	s12 =	smov.u32 s4  }
.LBB1_1:
0x3e: {  	s0 =	rddreg [dreg:$0x5]  }
0x3f: {  	p0 =	sge.u32 s11, s0  }
0x40: {  	s5 =	smov.u32 s9;
	s0 =	sshrl.u32 @!p0 s12, $0x3  }
0x41: {  	s1 =	sand.u32 @!p0 $0x1, s12;
	s2 =	sshll.u32 @!p0 s9, $0x3;
	s3 =	sshll.u32 @!p0 s12, $0x7  }
0x42: {  	s4 =	sshll.u32 @!p0 s9, $0x1;
	p1 =	sgt.s32 @!p0 s12, $0xB0;
	s0 =	smul.u32 @!p0 $0xC3800, s0  }
0x43: {  	s6 =	sshra.s32 @!p0 s9, $0x1F;
	s2 =	sand.u32 @!p0 $0xFFFFFC00, s2;
	p1 =	por !p1, p0  }
0x44: {  	s0 =	sadd.s32 @!p0 s0, s2;
	s2 =	sand.u32 @!p0 $0x300, s3;
	s3 =	sand.u32 @!p0 $0xFE, s4  }
0x45: {  	s4 =	sshra.s32 @!p0 s12, $0x1F;
	s0 =	sor.u32 @!p0 s2, s0;
	s1 =	sor.u32 @!p0 s1, s3  }
0x46: {  	s3 =	smov.u32 s12;
	s4 =	sand.u32 @!p0 s4, s12;
	s1 =	sor.u32 @!p0 s0, s1  }
0x47: {  	s0 =	smulhi.u32 @!p0 $0xA79C7B17, s0;
	s3 =	simm.s32 @p1 $0xB0;
	p1 =	sgt.s32 @!p0 s9, $0x18600  }
0x48: {  	s2 =	smulhi.u32 @!p0 $0xA79C7B17, s1;
	p1 =	por !p1, p0;
	s3 =	ssub.s32 @!p0 s3, s4  }
0x49: {  	s4 =	sand.u32 @!p0 s6, s9;
	s5 =	simm.s32 @p1 $0x18600;
	s0 =	sshrl.u32 @!p0 s0, $0x10  }
0x4a: {  	s6 =	sadd.s32 @!p0 $0xFFFFFF50, s3;
	s3 =	ssub.s32 @!p0 $0x130, s3;
	s4 =	ssub.s32 @!p0 s5, s4  }
0x4b: {  	s5 =	smul.u32 @!p0 $0xD795, s0;
	p1 =	sgt.s32 @!p0 s6, $0x7F;
	s2 =	sshrl.u32 @!p0 s2, $0x10  }
0x4c: {  	s6 =	sadd.s32 @!p0 $0xFFFE7A00, s4;
	p1 =	por !p1, p0;
	s4 =	ssub.s32 @!p0 $0x18700, s4  }
0x4d: {  	s2 =	smul.u32 @!p0 $0x18700, s2;
	p2 =	sgt.s32 @!p0 s6, $0xFF;
	s5 =	sshrl.u32 @!p0 s5, $0x18  }
0x4e: {  	s3 =	simm.s32 @!p1 $0x0;
	s5 =	smul.u32 @!p0 $0x130, s5;
	p1 =	por !p2, p0  }
0x4f: {  	s4 =	simm.s32 @!p1 $0x0  }
0x50: {  	s1 =	ssub.s32 @!p0 s1, s2;
	s0 =	ssub.s32 @!p0 s0, s5;
	s3 =	smul.u32 @!p0 s3, s4  }
0x51: {  	s4 =	sxor.u32 @!p0 $0xFFFFFFFF, s11;
	s5 =	rddreg [dreg:$0x3];
	s0 =	sand.u32 @!p0 $0xFFFF, s0  }
0x52: {  	s2 =	sshrl.u32 @!p0 s3, $0x1;
	s0 =	smul.u32 @!p0 $0x1870, s0;
	s3 =	sshrl.u32 @!p0 s1, $0x4  }
0x53: {  	s1 =	sshll.u32 @!p0 s1, $0x11;
	s2 =	sand.u32 @!p0 $0x3FFFFFFF, s2;
	s3 =	sadd.s32 @!p0 s5, s3  }
0x54: {  	s1 =	sand.u32 @!p0 $0x1C0000, s1;
	s0 =	sadd.s32 @!p0 s0, s3;
	s3 =	sshll.u32 @!p0 s4, $0xE  }
0x55: {  	s1 =	sor.u32 @!p0 $0x400, s1;
	s4 =	simm.s32 @!p0 $0x61C00;
	s3 =	sand.u32 @!p0 $0x4000, s3  }
0x56: {  	[tilespmem:s3], [sflag:$0x1] =	stream.strided.gather @!p0 [hbm4b:s0+s1], s2, s4, s1, $0x38;
	[tilespmem:$0x10100] =	vst v63  }
0x57: {  	p0 =	seq.s32 s11, $0x0  }
0x58: {  	p1 =	sge.u32 @!p0 s11, s7  }
0x59: {  	p0 =	por p0, p1  }
.Ltmp2:
0x5a: {  	_ = 	snop;
	(pc) =	sbr.rel @p0 .LBB1_13-.Ltmp2, $1  }
0x5b: {  	_ =	sdelay $0x3  }
0x5c: {  	[dreg:$0xc] =	wrdreg s14  }
0x5d: {  	[dreg:$0xb] =	wrdreg s13  }
0x5e: {  	s0 =	ssub.s32 $0x0, s10;
	s1 =	sshra.s32 s10, $0x1F;
	p0 =	sgt.s32 s10, $0xB0  }
0x5f: {  	s2 =	smov.u32 s10;
	s24 =	ssub.s32 $0x0, s8;
	s25 =	sshra.s32 s8, $0x1F  }
0x60: {  	s3 =	smov.u32 s8;
	s4 =	sand.u32 s0, s1;
	s2 =	simm.s32 @!p0 $0xB0  }
0x61: {  	p0 =	sgt.s32 s8, $0x18600;
	s1 =	sand.u32 s24, s25;
	s2 =	sadd.s32 s4, s2  }
0x62: {  	s3 =	simm.s32 @!p0 $0x18600;
	[dreg:$0xf] =	wrdreg s1;
	s26 =	sadd.s32 $0xFFFFFF50, s2  }
0x63: {  	s1 =	sadd.s32 s1, s3;
	s2 =	ssub.s32 $0x130, s2;
	p0 =	sgt.s32 s26, $0x7F  }
0x64: {  	s27 =	sadd.s32 $0xFFFE7A00, s1;
	s0 =	ssub.s32 $0x18700, s1;
	s1 =	sadd.s32 $0x80, s10  }
0x65: {  	p1 =	sgt.s32 s27, $0xFF;
	s2 =	simm.s32 @p0 $0x0;
	p0 =	slt.s32 s1, $0x12C  }
0x66: {  	[dreg:$0x8] =	wrdreg s9;
	s0 =	simm.s32 @p1 $0x0;
	s1 =	simm.s32 @!p0 $0x12C  }
0x67: {  	[dreg:$0x7] =	wrdreg s8;
	s0 =	smul.u32 s2, s0;
	s19 =	ssub.s32 s1, s10  }
0x68: {  	[dreg:$0xa] =	wrdreg s11;
	s28 =	simm.s32 $0x1;
	p0 =	slt.s32 s19, $0x1  }
.Ltmp3:
0x69: {  	s2 =	sshrl.u32 s0, $0x1;
	s0 =	sand.u32 $0x1, s11;
	(pc) =	sbr.rel @p0 .LBB1_12-.Ltmp3, $4  }
0x6a: {  	[dreg:$0xd] =	wrdreg s4;
	s2 =	sand.u32 $0x3FFFFFFF, s2;
	s29 =	smul.u32 $0x8100, s0  }
0x6b: {  	_ =	swait.ge [sflag:s28], s2;
	[dreg:$0x9] =	wrdreg s10  }
0x6c: {  	s30 =	ssub.s32 $0x0, s2;
	[sflag:s28] =	ssyncset.done $0x0;
	s31 =	sshrl.u32 s29, $0x1  }
0x6d: {  	[sflag:s28] =	ssyncadd.s32 s30;
	[dreg:$0xe] =	wrdreg s31  }
0x6e: {  	s2 =	rddreg [dreg:$0x7]  }
0x6f: {  	s1 =	sadd.s32 $0x100, s2  }
0x70: {  	s22 =	sshll.u32 s0, $0xE;
	s30 =	rddreg [dreg:$0xe];
	p0 =	slt.s32 s1, $0x186A0  }
.Ltmp4:
0x71: {  	s25 =	simm.s32 $0x0;
	v0 =	vmov s22;
	s1 =	simm.s32 @!p0 $0x186A0;
	(pc) =	sbr.rel .LBB1_4-.Ltmp4, $4  }
0x72: {  	s26 =	simm.s32 $0x0;
	s27 =	simm.s32 $0x0;
	s1 =	ssub.s32 s1, s2  }
0x73: {  	s23 =	sor.u32 $0x8000, s30;
	s2 =	sadd.s32 $0xF, s1;
	s1 =	sadd.s32 $0x1F, s1  }
0x74: {  	s20 =	sand.u32 $0xFFFFFFF0, s2;
	s21 =	sand.u32 $0xFFFFFF00, s1;
	s31 =	sshll.u32 s1, $0x3  }
0x75: {  	p0 =	slt.s32 s1, $0x100;
	s24 =	sand.u32 $0xFFFFF800, s31;
	p1 =	sge.s32 s21, s20  }
.LBB1_11:
0x76: {  	s27 =	sadd.s32 $0x2, s27  }
0x77: {  	p2 =	slt.s32 s27, s19  }
.Ltmp5:
0x78: {  	_ = 	snop;
	(pc) =	sbr.rel @!p2 .LBB1_12-.Ltmp5, $2  }
0x79: {  	_ =	sdelay $0x2  }
0x7a: {  	s26 =	sadd.s32 $0x200, s26;
	s25 =	sadd.s32 $0x100, s25  }
.LBB1_4:
.Ltmp6:
0x7b: {  	(pc) =	sbr.rel @p0 .LBB1_8-.Ltmp6, $2  }
0x7c: {  	_ =	sdelay $0x2  }
0x7d: {  	s28 =	sand.u32 $0x7E, s27  }
0x7e: {  	s0 =	sand.u32 $0xFFFFF800, s26;
	s1 =	sand.u32 $0x300, s25  }
0x7f: {  	s13 =	sor.u32 s1, s0  }
0x80: {  	s11 =	sshrl.u32 s13, $0x1  }
0x81: {  	s9 =	sadd.s32 $0x400, s13;
	s18 =	sand.u32 $0x3D80, s11  }
0x82: {  	s9 =	sshrl.u32 s9, $0x1;
	v1 =	vld.idx.msk [tilespmem:v0+s18+$0x0 ss:$0x1], $0xffff  }
0x83: {  	s9 =	sand.u32 $0x3F80, s9;
	v7 =	vld.idx.msk [tilespmem:v0+s18+$0x10 ss:$0x1], $0xffff  }
0x84: {  	v2 =	vld.idx.msk [tilespmem:v0+s9+$0x60 ss:$0x1], $0xffff  }
0x85: {  	v3 =	vld.idx.msk [tilespmem:v0+s9+$0x70 ss:$0x1], $0xffff  }
0x86: {  	v4 =	vld.idx.msk [tilespmem:v0+s9+$0x0 ss:$0x1], $0xffff  }
0x87: {  	v5 =	vld.idx.msk [tilespmem:v0+s9+$0x10 ss:$0x1], $0xffff  }
0x88: {  	v8 =	vld.idx.msk [tilespmem:v0+s9+$0x20 ss:$0x1], $0xffff  }
0x89: {  	s3 =	sadd.s32 s28, s23;
	p2 =	sgt.s32 s21, $0x100;
	v9 =	vld.idx.msk [tilespmem:v0+s9+$0x30 ss:$0x1], $0xffff  }
0x8a: {  	s5 =	sadd.s32 $0x1, s3;
	s8 =	sadd.s32 $0x810, s3;
	s0 =	sadd.s32 $0x811, s3;
	v13 =	vld.idx.msk [tilespmem:v0+s9+$0x40 ss:$0x1], $0xffff;
	v3 =	vperm.xlane.i2c.b16 v3;
	v10 =	vperm.xlane.i2c.b16 v2  }
.Ltmp7:
0x8b: {  	s31 =	sadd.s32 $0x1020, s3;
	s1 =	sadd.s32 $0x1021, s3;
	v6 =	vld.idx.msk [tilespmem:v0+s9+$0x50 ss:$0x1], $0xffff;
	v1 =	vperm.xlane.i2c.b16 v1;
	v11 =	vperm.xlane.i2c.b16 v4;
	(pc) =	sbr.rel @!p2 .LBB1_7-.Ltmp7, $4  }
0x8c: {  	s29 =	sadd.s32 $0x1830, s3;
	s30 =	sadd.s32 $0x1831, s3;
	s16 =	sadd.s32 $0x2040, s3;
	v4 =	vld.idx.msk [tilespmem:v0+s18+$0x20 ss:$0x1], $0xffff;
	v14 =	vperm.xlane.i2c.b16 v5;
	v5 =	vcombine.low v10, v3  }
0x8d: {  	s17 =	sadd.s32 $0x2041, s3;
	s7 =	sadd.s32 $0x2850, s3;
	s14 =	sadd.s32 $0x3870, s3;
	v2 =	vld.idx.msk [tilespmem:v0+s18+$0x30 ss:$0x1], $0xffff;
	v8 =	vperm.xlane.i2c.b16 v8;
	v15 =	vcombine.high v10, v3  }
0x8e: {  	s2 =	sadd.s32 $0x2851, s3;
	s6 =	sadd.s32 $0x3060, s3;
	s15 =	sadd.s32 $0x3871, s3;
	v3 =	vld.idx.msk [tilespmem:v0+s18+$0x40 ss:$0x1], $0xffff;
	v12 =	vcombine.low v11, v14;
	v10 =	vperm.xlane.i2c.b16 v9;
	[tilespmem:s14+$0x0 ss:$0x81] =	vst.msk $0xffff, v5  }
0x8f: {  	s4 =	sadd.s32 $0x3061, s3;
	s13 =	sadd.s32 $0x800, s13;
	s11 =	simm.s32 $0x100;
	v11 =	vcombine.high v11, v14;
	v9 =	vperm.xlane.i2c.b16 v13;
	v5 =	vld.idx.msk [tilespmem:v0+s18+$0x50 ss:$0x1], $0xffff;
	[tilespmem:s15+$0x0 ss:$0x81] =	vst.msk $0xffff, v15  }
.LBB1_6:
0x90: {  	s9 =	sshrl.u32 s13, $0x1;
	s10 =	sadd.s32 $0x400, s13;
	v13 =	vld.idx.msk [tilespmem:v0+s18+$0x60 ss:$0x1], $0xffff;
	[tilespmem:s16+$0x0 ss:$0x81] =	vst.msk $0xffff, v12;
	v12 =	vcombine.low v8, v10;
	v6 =	vperm.xlane.i2c.b16 v6  }
0x91: {  	v7 =	vperm.xlane.i2c.b16 v7;
	v8 =	vcombine.high v8, v10;
	s10 =	sshrl.u32 s10, $0x1;
	v14 =	vld.idx.msk [tilespmem:v0+s18+$0x70 ss:$0x1], $0xffff;
	s18 =	sand.u32 $0x3D80, s9;
	[tilespmem:s17+$0x0 ss:$0x81] =	vst.msk $0xffff, v11  }
0x92: {  	s11 =	sadd.s32 $0x100, s11;
	v4 =	vperm.xlane.i2c.b16 v4;
	v10 =	vld.idx.msk [tilespmem:v0+s18+$0x0 ss:$0x1], $0xffff;
	s9 =	sand.u32 $0x3F80, s10;
	[tilespmem:s7+$0x0 ss:$0x81] =	vst.msk $0xffff, v12;
	v11 =	vcombine.low v9, v6  }
0x93: {  	p2 =	slt.s32 s11, s21;
	v2 =	vperm.xlane.i2c.b16 v2;
	v6 =	vcombine.high v9, v6;
	v12 =	vld.idx.msk [tilespmem:v0+s9+$0x60 ss:$0x1], $0xffff;
	[tilespmem:s2+$0x0 ss:$0x81] =	vst.msk $0xffff, v8  }
0x94: {  	v9 =	vcombine.low v1, v7;
	v3 =	vperm.xlane.i2c.b16 v3;
	v8 =	vld.idx.msk [tilespmem:v0+s9+$0x70 ss:$0x1], $0xffff;
	[tilespmem:s6+$0x0 ss:$0x81] =	vst.msk $0xffff, v11  }
0x95: {  	v1 =	vcombine.high v1, v7;
	v5 =	vperm.xlane.i2c.b16 v5;
	v11 =	vld.idx.msk [tilespmem:v0+s9+$0x0 ss:$0x1], $0xffff;
	[tilespmem:s4+$0x0 ss:$0x81] =	vst.msk $0xffff, v6  }
0x96: {  	v6 =	vcombine.low v4, v2;
	v15 =	vld.idx.msk [tilespmem:v0+s9+$0x10 ss:$0x1], $0xffff;
	[tilespmem:s3+$0x0 ss:$0x81] =	vst.msk $0xffff, v9;
	v9 =	vperm.xlane.i2c.b16 v13  }
0x97: {  	v2 =	vcombine.high v4, v2;
	v4 =	vperm.xlane.i2c.b16 v14;
	v13 =	vld.idx.msk [tilespmem:v0+s9+$0x20 ss:$0x1], $0xffff;
	[tilespmem:s5+$0x0 ss:$0x81] =	vst.msk $0xffff, v1  }
0x98: {  	v7 =	vcombine.low v3, v5;
	v1 =	vperm.xlane.i2c.b16 v10;
	v10 =	vld.idx.msk [tilespmem:v0+s9+$0x30 ss:$0x1], $0xffff;
	[tilespmem:s8+$0x0 ss:$0x81] =	vst.msk $0xffff, v6  }
0x99: {  	v14 =	vld.idx.msk [tilespmem:v0+s9+$0x40 ss:$0x1], $0xffff;
	[tilespmem:s0+$0x0 ss:$0x81] =	vst.msk $0xffff, v2;
	v2 =	vcombine.high v3, v5;
	v3 =	vcombine.low v9, v4  }
0x9a: {  	v12 =	vperm.xlane.i2c.b16 v12;
	v5 =	vperm.xlane.i2c.b16 v8;
	v6 =	vld.idx.msk [tilespmem:v0+s9+$0x50 ss:$0x1], $0xffff;
	[tilespmem:s31+$0x0 ss:$0x81] =	vst.msk $0xffff, v7  }
.Ltmp8:
0x9b: {  	v9 =	vcombine.high v9, v4;
	v11 =	vperm.xlane.i2c.b16 v11;
	v7 =	vld.idx.msk [tilespmem:v0+s18+$0x10 ss:$0x1], $0xffff;
	[tilespmem:s1+$0x0 ss:$0x81] =	vst.msk $0xffff, v2;
	(pc) =	sbr.rel @p2 .LBB1_6-.Ltmp8, $4  }
0x9c: {  	v15 =	vperm.xlane.i2c.b16 v15;
	v16 =	vcombine.low v12, v5;
	v4 =	vld.idx.msk [tilespmem:v0+s18+$0x20 ss:$0x1], $0xffff;
	[tilespmem:s29+$0x0 ss:$0x81] =	vst.msk $0xffff, v3  }
0x9d: {  	v8 =	vperm.xlane.i2c.b16 v13;
	v13 =	vcombine.high v12, v5;
	v2 =	vld.idx.msk [tilespmem:v0+s18+$0x30 ss:$0x1], $0xffff;
	[tilespmem:s30+$0x0 ss:$0x81] =	vst.msk $0xffff, v9  }
0x9e: {  	v12 =	vcombine.low v11, v15;
	v10 =	vperm.xlane.i2c.b16 v10;
	v3 =	vld.idx.msk [tilespmem:v0+s18+$0x40 ss:$0x1], $0xffff;
	[tilespmem:s14+$0x0 ss:$0x81] =	vst.msk $0xffff, v16  }
0x9f: {  	s13 =	sadd.s32 $0x800, s13;
	v11 =	vcombine.high v11, v15;
	v9 =	vperm.xlane.i2c.b16 v14;
	v5 =	vld.idx.msk [tilespmem:v0+s18+$0x50 ss:$0x1], $0xffff;
	[tilespmem:s15+$0x0 ss:$0x81] =	vst.msk $0xffff, v13  }
.LBB1_7:
0xa0: {  	_ =	sdelay $0x1  }
0xa1: {  	[tilespmem:s16+$0x0 ss:$0x81] =	vst.msk $0xffff, v12;
	v55 =	vcombine.low v8, v10;
	v6 =	vperm.xlane.i2c.b16 v6  }
0xa2: {  	v56 =	vcombine.high v8, v10;
	v7 =	vperm.xlane.i2c.b16 v7;
	[tilespmem:s17+$0x0 ss:$0x81] =	vst.msk $0xffff, v11  }
0xa3: {  	v57 =	vld.idx.msk [tilespmem:v0+s18+$0x60 ss:$0x1], $0xffff;
	[tilespmem:s7+$0x0 ss:$0x81] =	vst.msk $0xffff, v55;
	v58 =	vcombine.low v9, v6  }
0xa4: {  	v59 =	vld.idx.msk [tilespmem:v0+s18+$0x70 ss:$0x1], $0xffff;
	v4 =	vperm.xlane.i2c.b16 v4;
	v60 =	vcombine.low v1, v7;
	[tilespmem:s2+$0x0 ss:$0x81] =	vst.msk $0xffff, v56  }
0xa5: {  	v6 =	vcombine.high v9, v6;
	v2 =	vperm.xlane.i2c.b16 v2;
	[tilespmem:s6+$0x0 ss:$0x81] =	vst.msk $0xffff, v58  }
0xa6: {  	v1 =	vcombine.high v1, v7;
	v3 =	vperm.xlane.i2c.b16 v3;
	[tilespmem:s3+$0x0 ss:$0x81] =	vst.msk $0xffff, v60  }
0xa7: {  	v5 =	vperm.xlane.i2c.b16 v5;
	v61 =	vcombine.low v4, v2;
	[tilespmem:s4+$0x0 ss:$0x81] =	vst.msk $0xffff, v6  }
0xa8: {  	v62 =	vperm.xlane.i2c.b16 v57;
	[tilespmem:s5+$0x0 ss:$0x81] =	vst.msk $0xffff, v1;
	v1 =	vcombine.high v4, v2  }
0xa9: {  	v2 =	vperm.xlane.i2c.b16 v59;
	[tilespmem:s8+$0x0 ss:$0x81] =	vst.msk $0xffff, v61;
	v63 =	vcombine.low v3, v5  }
0xaa: {  	[tilespmem:s0+$0x0 ss:$0x81] =	vst.msk $0xffff, v1;
	v1 =	vcombine.high v3, v5  }
0xab: {  	v3 =	vcombine.low v62, v2;
	[tilespmem:s31+$0x0 ss:$0x81] =	vst.msk $0xffff, v63  }
0xac: {  	[tilespmem:s1+$0x0 ss:$0x81] =	vst.msk $0xffff, v1;
	v1 =	vcombine.high v62, v2  }
0xad: {  	[tilespmem:s29+$0x0 ss:$0x81] =	vst.msk $0xffff, v3  }
0xae: {  	[tilespmem:s30+$0x0 ss:$0x81] =	vst.msk $0xffff, v1  }
.LBB1_8:
.Ltmp9:
0xaf: {  	(pc) =	sbr.rel @p1 .LBB1_11-.Ltmp9, $1  }
0xb0: {  	_ =	sdelay $0x3  }
0xb1: {  	s0 =	sshll.u32 s27, $0x8;
	s1 =	sshll.u32 s27, $0x7  }
0xb2: {  	s2 =	smov.u32 s24;
	s0 =	sand.u32 $0x7800, s0;
	s1 =	sand.u32 $0x300, s1  }
0xb3: {  	s3 =	smov.u32 s21;
	s0 =	sor.u32 s1, s0;
	s1 =	sadd.s32 s28, s23  }
.LBB1_10:
0xb4: {  	s4 =	sand.u32 $0x7C00, s2  }
0xb5: {  	s4 =	sadd.s32 s0, s4  }
0xb6: {  	s4 =	sshrl.u32 s4, $0x1  }
0xb7: {  	s4 =	sand.u32 $0x3F80, s4  }
0xb8: {  	s5 =	sand.u32 $0x60, s3;
	s4 =	sadd.s32 s4, s22  }
0xb9: {  	s4 =	sadd.s32 s5, s4  }
0xba: {  	v1 =	vld [tilespmem:s4+$0x0]  }
0xbb: {  	v2 =	vld [tilespmem:s4+$0x10];
	_ =	sdelay $0x3  }
0xbc: {  	s31 =	sand.u32 $0xE0, s3;
	s3 =	sadd.s32 $0x20, s3  }
0xbd: {  	p2 =	slt.s32 s3, s20;
	s4 =	smul.u32 $0x102, s31;
	v2 =	vperm.xlane.i2c.b16 v2;
	v1 =	vperm.xlane.i2c.b16 v1  }
.Ltmp10:
0xbe: {  	_ = 	snop;
	(pc) =	sbr.rel @p2 .LBB1_10-.Ltmp10, $4  }
0xbf: {  	s4 =	sshrl.u32 s4, $0x2;
	v3 =	vcombine.low v1, v2  }
0xc0: {  	s4 =	sadd.s32 s4, s1;
	v1 =	vcombine.high v1, v2  }
0xc1: {  	[tilespmem:s4+$0x0 ss:$0x81] =	vst.msk $0xffff, v3  }
0xc2: {  	s2 =	sadd.s32 $0x100, s2;
	[tilespmem:s4+$0x1 ss:$0x81] =	vst.msk $0xffff, v1  }
.Ltmp11:
0xc3: {  	_ = 	snop;
	(pc) =	sbr.rel .LBB1_11-.Ltmp11, $1  }
0xc4: {  	_ =	sdelay $0x3  }
.LBB1_14:
0xc5: {  	_ =	sfence.sel $0x180000  }
0xc6: {  	s0 =	simm.s32 $0x1;
	[bflag:$0x0] =	sbarrier.arrive $0xFFFF  }
0xc7: {  	s30 =	simm.s32 $0x2;
	[sflag:s0] =	ssyncpa.u1 $0x1  }
0xc8: {  	[sflag:s30] =	ssyncpa.u1 $0x1  }
0xc9: {  	_ =	strace $0x90000047  }
0xca: {  	s31 =	stileid.u32;
	[bflag:$0x2] =	sbarrier.arrive $0xFFFF  }
0xcb: {  	p0 =	sne.s32 s31, $0x0;
	s0 =	rddreg [dreg:$0x1]  }
0xcc: {  	s0 =	sadd.s32 @!p0 $0x100000, s0  }
0xcd: {  	[sflag:s0] =	ssyncadd.tile.s32 @!p0 $0x1;
	_ =	shalt  }
.Lfunc_end1:
_tile_overlayer_lowered:
.L_overlay_start_2:
0xce: {  	(tag) =	ssettag $0x2  }
0xcf: {  	s0 =	rddreg [dreg:$0x0];
	s2 =	stileid.u32  }
0xd0: {  	s1 =	rddreg [dreg:$0x1];
	p0 =	sne.s32 s2, $0x0  }
0xd1: {  	s3 =	rddreg [dreg:$0x2];
	[bflag:$0x3] =	sbarrier.arrive $0xFFFF;
	s2 =	simm.s32 @!p0 $0x1C01  }
0xd2: {  	[timem:s3], [sflag:s2] =	dma.local @!p0 [hbm:s0], s1  }
0xd3: {  	s0 =	simm.s32 @!p0 $0x1  }
0xd4: {  	_ =	swait.ge @!p0 [sflag:s0], s1  }
0xd5: {  	s1 =	ssub.s32 @!p0 $0x0, s1;
	[sflag:s0] =	ssyncset.done @!p0 $0x0  }
0xd6: {  	[sflag:s0] =	ssyncadd.s32 @!p0 s1  }
0xd7: {  	[bflag:$0x3] =	sbarrier.arrive $0xFFFF  }
0xd8: {  	_ =	shalt  }

// kernel: sparse-core-data-format-call.cloned.1.call-start
scs
called_computation_lowered:
.L_overlay_start_0:
0x0: {  	s1 =	sld [smem:$0x3FD9]  }
0x1: {  	s2 =	sld [smem:$0x3FFE];
	_ =	sdelay $0x1  }
0x2: {  	s3 =	srdreg.scid  }
0x3: {  	s0 =	sand.u32 $0x1, s3  }
0x4: {  	s17 =	sshll.u32 s0, $0xA;
	s1 =	sadd.s32 s2, s1  }
0x5: {  	s1 =	sadd.s32 s1, s17  }
0x6: {  	[smem:$0x3FC2] =	sst s1  }
0x7: {  	_ = 	snop  }
0x8: {  	(tm) =	ssettm $0x1  }
0x9: {  	s18 =	sld [smem:$0x3FFB];
	_ =	sdelay $0x3  }
0xa: {  	_ =	strace s18  }
0xb: {  	s1 =	sld [smem:$0x3FFC];
	_ =	sdelay $0x3  }
0xc: {  	_ =	strace s1  }
0xd: {  	s1 =	sld [smem:$0x3FFD];
	_ =	sdelay $0x3  }
0xe: {  	_ =	strace s1  }
0xf: {  	_ =	strace $0x8FFFFFFF  }
0x10: {  	s19 =	sld [smem:$0x3FDB];
	_ =	sdelay $0x1  }
0x11: {  	s20 =	simm.s32 $_scs_section_size  }
0x12: {  	s4 =	simm.s32 $_size__tile_overlayer_lowered;
	s5 =	simm.s32 $_tile_overlayer_lowered  }
0x13: {  	s23 =	simm.s32 $0x1BFF;
	s22 =	sshll.u32 s5, $0x1;
	s1 =	sadd.s32 s20, s19  }
0x14: {  	s6 =	simm.s32 $0x0;
	s21 =	sshll.u32 s4, $0x1;
	s4 =	sadd.s32 s22, s1  }
0x15: {  	[timem:s6], [sflag:s23] =	dma.local [hbm:s4], s21  }
0x16: {  	_ =	swait.ge [sflag:s23], s21  }
0x17: {  	s2 =	ssub.s32 $0x0, s21;
	[sflag:s23] =	ssyncset.done $0x0  }
0x18: {  	[sflag:s23] =	ssyncadd.s32 s2;
	_ =	sdelay $0x1  }
0x19: {  	s24 =	simm.s32 $0x1B8B  }
0x1a: {  	_ =	swait.ge [sflag:s24], $0x1  }
0x1b: {  	[sflag:s24] =	ssyncset.done $0x0  }
0x1c: {  	s26 =	simm.s32 $0x1B8E;
	s25 =	sld [smem:$0x3FFE];
	[sflag:s24] =	ssyncadd.s32 $0xFFFFFFFF  }
0x1d: {  	s27 =	simm.s32 $execute0_lowered;
	[smem:$0x3FD2] =	sst s26  }
0x1e: {  	s4 =	sshll.u32 s27, $0x1;
	_ =	strace $0x80000049;
	[dreg:$0x1] =	wrdreg $0xFFFFFFFF  }
0x1f: {  	s28 =	simm.s32 $_size_execute0_lowered;
	s1 =	sadd.s32 s1, s4;
	[dreg:$0x0] =	wrdreg $0x0  }
0x20: {  	s4 =	sshll.u32 s28, $0x1;
	[dreg:$0x2] =	wrdreg s1  }
0x21: {  	[dreg:$0x3] =	wrdreg s4  }
0x22: {  	[dreg:$0x4] =	wrdreg $0xC0  }
0x23: {  	_ =	task [dreg:s6], $0x5FFFF  }
0x24: {  	[dreg:$0x1] =	wrdreg $0xFFFFFFFF  }
0x25: {  	[dreg:$0x0] =	wrdreg $0x60  }
0x26: {  	[dreg:$0x2] =	wrdreg s25  }
0x27: {  	[dreg:$0x3] =	wrdreg $0x9  }
0x28: {  	_ =	task.clear_ibuf [dreg:s6], $0x4FFFF;
	_ =	strace $0x90000049  }
0x29: {  	s29 =	simm.s32 $0x9;
	_ =	strace $0x8000004B  }
0x2a: {  	_ =	swait.ge [sflag:s29], $0x1  }
0x2b: {  	[sflag:s29] =	ssyncadd.s32 $0xFFFFFFFF  }
0x2c: {  	_ =	strace $0x9000004B  }
0x2d: {  	_ =	sfence  }
0x2e: {  	s30 =	sld [smem:$0x0];
	_ =	sdelay $0x2  }
0x2f: {  	s31 =	sshll.u32 s3, $0xD;
	s3 =	sshrl.u32 s3, $0x2  }
0x30: {  	s2 =	sand.u32 $0x4000, s31;
	s1 =	sadd.s32 s3, s30  }
0x31: {  	s0 =	sor.u32 s2, s0;
	s1 =	sshll.u32 s1, $0x11  }
0x32: {  	s0 =	sor.u32 s1, s0  }
0x33: {  	s0 =	sadd.s32 $0x8F2B, s0  }
0x34: {  	[sflag:s0] =	ssyncadd.remote.s32 $0x1  }
0x35: {  	_ =	sfence.sel $0xFFFF  }
0x36: {  	[dreg:$0x0] =	wrdreg $0xFFFFFFFF;
	(pc) =	sbr.abs _section_cstart, $3  }
0x37: {  	[dreg:$0x1] =	wrdreg $0xFFFFFFFF  }
0x38: {  	_ =	task.clear_ibuf [dreg:s6], $0x2FFFF;
	_ =	strace $0x9FFFFFFF  }
0x39: {  	(tm) =	ssettm $0x7FFFFFFF  }
tec
execute0_lowered:
.L_overlay_start_1:
0x0: {  	(tag) =	ssettag $0x1  }
0x1: {  	s0 =	srdreg.scid  }
0x2: {  	s5 =	rddreg [dreg:$0x0];
	s1 =	stileid.u32;
	s4 =	simm.s32 $0x1  }
0x3: {  	s6 =	simm.s32 $0x2;
	s8 =	simm.s32 $0x0;
	s2 =	sshll.u32 s0, $0x4  }
0x4: {  	s9 =	simm.s32 $0x0;
	s13 =	simm.s32 $0x0;
	s2 =	sand.u32 $0x10, s2  }
.Ltmp0:
0x5: {  	s10 =	simm.s32 $0x0;
	s3 =	sor.u32 s1, s2;
	(pc) =	sbr.rel .LBB1_1-.Ltmp0, $4  }
0x6: {  	s0 =	rddreg [dreg:$0x1];
	_ =	strace $0x8000004A;
	s3 =	sshll.u32 s3, $0x4  }
0x7: {  	s12 =	simm.s32 $0x0;
	[sflag:s4] =	ssyncpa.u1 $0x0;
	s7 =	ssub.s32 $0x3D00, s3  }
0x8: {  	s2 =	sadd.s32 $0x1E9C00, s5;
	[sflag:s6] =	ssyncpa.u1 $0x0;
	s6 =	sshrl.u32 s7, $0x9  }
0x9: {  	s5 =	sadd.s32 $0x1600, s5;
	s11 =	smov.u32 s3;
	s7 =	sadd.s32 $0x2, s6  }
.LBB1_7:
0xa: {  	s15 =	sshll.u32 s12, $0xF  }
0xb: {  	s15 =	sand.u32 $0x8000, s15  }
0xc: {  	s16 =	sshll.u32 s10, $0x7;
	s15 =	sshrl.u32 s15, $0x1  }
0xd: {  	s16 =	sadd.s32 s5, s16;
	s15 =	sor.u32 $0x8000, s15  }
0xe: {  	[hbm4b:s16+s8] =	stream.linear.scatter [tilespmem:s15], [sflag:$0x2], s14, $0x38;
	[tilespmem:$0x10000] =	vst v63  }
.LBB1_8:
0xf: {  	p0 =	slt.u32 s12, $0x2  }
0x10: {  	p1 =	sgt.s32 @!p0 s13, $0x3CF9  }
0x11: {  	s14 =	smov.u32 s13;
	s15 =	sshra.s32 @!p0 s13, $0x1F;
	p1 =	por !p1, p0  }
0x12: {  	s13 =	sand.u32 @!p0 s15, s13;
	s14 =	simm.s32 @p1 $0x3CF9  }
0x13: {  	s13 =	ssub.s32 @!p0 s14, s13  }
0x14: {  	s13 =	sadd.s32 @!p0 $0xFFFFC307, s13  }
0x15: {  	s14 =	sshll.u32 @!p0 s13, $0xC  }
0x16: {  	p1 =	sgt.s32 @!p0 s13, $0xF;
	s13 =	ssub.s32 @!p0 $0x10000, s14  }
0x17: {  	s15 =	sadd.s32 $0x200, s11;
	p1 =	por !p1, p0;
	s13 =	sshrl.u32 @!p0 s13, $0x2  }
0x18: {  	s13 =	simm.s32 @!p1 $0x0;
	p1 =	sgt.s32 s15, $0x3D08  }
0x19: {  	s15 =	smov.u32 @p1 s3;
	p1 =	sne.s32 s12, s7  }
.Ltmp1:
0x1a: {  	_ = 	snop;
	(pc) =	sbr.rel @!p1 .LBB1_9-.Ltmp1, $4  }
0x1b: {  	s14 =	simm.s32 @!p0 $0x2  }
0x1c: {  	s9 =	sadd.s32 $0x8000, s9;
	_ =	swait.ge @!p0 [sflag:s14], s13;
	s16 =	ssub.s32 @!p0 $0x0, s13  }
0x1d: {  	s13 =	smov.u32 s10;
	s12 =	sadd.s32 $0x1, s12;
	[sflag:s14] =	ssyncset.done @!p0 $0x0  }
0x1e: {  	s10 =	smov.u32 s11;
	s11 =	smov.u32 s15;
	[sflag:s14] =	ssyncadd.s32 @!p0 s16  }
.LBB1_1:
0x1f: {  	p0 =	sgt.u32 s12, s6  }
0x20: {  	p1 =	sgt.s32 @!p0 s11, $0x3CF9  }
0x21: {  	s14 =	smov.u32 s11;
	s15 =	sshra.s32 @!p0 s11, $0x1F;
	p1 =	por !p1, p0  }
0x22: {  	s15 =	sand.u32 @!p0 s15, s11;
	s14 =	simm.s32 @p1 $0x3CF9  }
0x23: {  	s14 =	ssub.s32 @!p0 s14, s15  }
0x24: {  	s14 =	sadd.s32 @!p0 $0xFFFFC307, s14  }
0x25: {  	s16 =	sshll.u32 @!p0 s11, $0x7;
	s17 =	simm.s32 @!p0 $0x0;
	s15 =	sshll.u32 @!p0 s14, $0xC  }
0x26: {  	p1 =	sgt.s32 @!p0 s14, $0xF;
	s14 =	ssub.s32 @!p0 $0x10000, s15;
	s15 =	sxor.u32 @!p0 $0xFFFFFFFF, s12  }
0x27: {  	p1 =	por !p1, p0;
	s14 =	sshrl.u32 @!p0 s14, $0x2;
	s15 =	sshll.u32 @!p0 s15, $0xE  }
0x28: {  	s16 =	sadd.s32 @!p0 s2, s16;
	s14 =	simm.s32 @!p1 $0x0;
	s15 =	sand.u32 @!p0 $0x4000, s15  }
0x29: {  	[tilespmem:s15], [sflag:$0x1] =	stream.linear.gather @!p0 [hbm4b:s16+s17], s14, $0x38;
	[tilespmem:$0x10000] =	vst v63  }
0x2a: {  	p0 =	seq.s32 s12, $0x0  }
0x2b: {  	p1 =	sge.u32 @!p0 s12, s7  }
0x2c: {  	p0 =	por p0, p1  }
.Ltmp2:
0x2d: {  	_ = 	snop;
	(pc) =	sbr.rel @p0 .LBB1_8-.Ltmp2, $1  }
0x2e: {  	_ =	sdelay $0x3  }
0x2f: {  	p0 =	sgt.s32 s10, $0x3CF9;
	s14 =	smov.u32 s10;
	s15 =	sshra.s32 s10, $0x1F  }
0x30: {  	s14 =	simm.s32 @!p0 $0x3CF9;
	s15 =	sand.u32 s15, s10  }
0x31: {  	s14 =	ssub.s32 s14, s15  }
0x32: {  	s16 =	sadd.s32 $0x10, s10;
	s14 =	sadd.s32 $0xFFFFC307, s14  }
0x33: {  	p1 =	slt.s32 s16, $0x3D09;
	s30 =	sshll.u32 s14, $0xC  }
0x34: {  	s16 =	simm.s32 @!p1 $0x3D09;
	s15 =	ssub.s32 $0x10000, s30  }
0x35: {  	p0 =	sgt.s32 s14, $0xF;
	s14 =	sshrl.u32 s15, $0x2;
	s15 =	ssub.s32 s16, s10  }
0x36: {  	s14 =	simm.s32 @p0 $0x0;
	p0 =	slt.s32 s15, $0x1  }
.Ltmp3:
0x37: {  	_ = 	snop;
	(pc) =	sbr.rel @p0 .LBB1_7-.Ltmp3, $4  }
0x38: {  	_ = 	snop  }
0x39: {  	_ =	swait.ge [sflag:s4], s14  }
0x3a: {  	s31 =	ssub.s32 $0x0, s14;
	[sflag:s4] =	ssyncset.done $0x0  }
0x3b: {  	[sflag:s4] =	ssyncadd.s32 s31  }
0x3c: {  	s16 =	sshrl.u32 s9, $0x1  }
0x3d: {  	s17 =	sand.u32 $0x4000, s16  }
0x3e: {  	s18 =	simm.s32 $0x0;
	s16 =	sor.u32 $0x200, s17;
	s17 =	sor.u32 $0x8080, s17  }
.LBB1_4:
0x3f: {  	v0 =	vld [tilespmem:s16+$0xFFFFFE70]  }
0x40: {  	v1 =	vld [tilespmem:s16+$0x70]  }
0x41: {  	v2 =	vld [tilespmem:s16+$0x0]  }
0x42: {  	v3 =	vld [tilespmem:s16+$0xFFFFFE10]  }
0x43: {  	v4 =	vld [tilespmem:s16+$0x10]  }
0x44: {  	v5 =	vld [tilespmem:s16+$0xFFFFFE20]  }
0x45: {  	v7 =	vld [tilespmem:s16+$0x20]  }
0x46: {  	v11 =	vld [tilespmem:s16+$0x30];
	v6 =	vunpack.i.l.s16.s32 v0;
	v8 =	vunpack.i.u.s16.s32 v0;
	v9 =	vunpack.i.u.s16.s32 v1  }
0x47: {  	v10 =	vunpack.i.l.s16.s32 v1;
	v0 =	vunpack.i.u.s16.s32 v2;
	v1 =	vunpack.i.l.s16.s32 v2;
	v2 =	vld [tilespmem:s16+$0xFFFFFE30]  }
0x48: {  	v8 =	vpack.i.b32.b16 v9, v8;
	v9 =	vunpack.i.u.s16.s32 v3;
	v3 =	vunpack.i.l.s16.s32 v3  }
0x49: {  	v12 =	vld [tilespmem:s16+$0xFFFFFE40];
	v6 =	vpack.i.b32.b16 v10, v6;
	[tilespmem:s17+$0x70] =	vst v8;
	v8 =	vunpack.i.u.s16.s32 v4;
	v4 =	vunpack.i.l.s16.s32 v4  }
0x4a: {  	v13 =	vld [tilespmem:s16+$0x40];
	v10 =	vunpack.i.u.s16.s32 v5;
	v5 =	vunpack.i.l.s16.s32 v5;
	[tilespmem:s17+$0xFFFFFFF0] =	vst v6;
	v3 =	vpack.i.b32.b16 v4, v3  }
0x4b: {  	v6 =	vunpack.i.l.s16.s32 v7;
	v4 =	vld [tilespmem:s16+$0xFFFFFE50];
	[tilespmem:s17+$0xFFFFFF90] =	vst v3;
	v3 =	vpack.i.b32.b16 v8, v9;
	v8 =	vunpack.i.u.s16.s32 v7  }
0x4c: {  	v7 =	vunpack.i.l.s16.s32 v11;
	[tilespmem:s17+$0x10] =	vst v3;
	v3 =	vpack.i.b32.b16 v6, v5;
	v9 =	vunpack.i.u.s16.s32 v2;
	v6 =	vld [tilespmem:s16+$0x50]  }
0x4d: {  	v5 =	vunpack.i.l.s16.s32 v2;
	v2 =	vld [tilespmem:s16+$0xFFFFFE60];
	[tilespmem:s17+$0xFFFFFFA0] =	vst v3;
	v3 =	vpack.i.b32.b16 v8, v10;
	v10 =	vunpack.i.u.s16.s32 v11  }
0x4e: {  	s21 =	simm.s32 $0x0;
	v11 =	vpack.i.b32.b16 v7, v5;
	v7 =	vunpack.i.u.s16.s32 v12;
	v8 =	vunpack.i.l.s16.s32 v12;
	[tilespmem:s17+$0x20] =	vst v3;
	v3 =	vld [tilespmem:s16+$0x60]  }
0x4f: {  	s22 =	sadd.s32 $0x80, s16;
	s20 =	smov.u32 s17;
	s19 =	smov.u32 s17;
	v5 =	vld [tilespmem:s16+$0xFFFFFE00];
	[tilespmem:s17+$0xFFFFFFB0] =	vst v11;
	v10 =	vpack.i.b32.b16 v10, v9;
	v9 =	vunpack.i.u.s16.s32 v13;
	v11 =	vunpack.i.l.s16.s32 v13  }
.LBB1_5:
0x50: {  	v12 =	vld [tilespmem:s22+$0xFFFFFE70];
	[tilespmem:s20+$0x30] =	vst v10;
	v8 =	vpack.i.b32.b16 v11, v8;
	v10 =	vunpack.i.u.s16.s32 v4;
	v4 =	vunpack.i.l.s16.s32 v4  }
0x51: {  	s21 =	sadd.s32 $0x2, s21;
	v7 =	vpack.i.b32.b16 v9, v7;
	v11 =	vld [tilespmem:s22+$0x70];
	[tilespmem:s20+$0xFFFFFFC0] =	vst v8;
	v8 =	vunpack.i.u.s16.s32 v6;
	v6 =	vunpack.i.l.s16.s32 v6  }
0x52: {  	p0 =	slt.u32 s21, $0x6;
	v9 =	vld [tilespmem:s22+$0x0];
	[tilespmem:s20+$0x40] =	vst v7;
	v4 =	vpack.i.b32.b16 v6, v4;
	v6 =	vunpack.i.u.s16.s32 v2;
	v2 =	vunpack.i.l.s16.s32 v2  }
0x53: {  	v7 =	vld [tilespmem:s22+$0xFFFFFE10];
	[tilespmem:s20+$0xFFFFFFD0] =	vst v4;
	v4 =	vpack.i.b32.b16 v8, v10;
	v8 =	vunpack.i.u.s16.s32 v3;
	v3 =	vunpack.i.l.s16.s32 v3  }
0x54: {  	v10 =	vld [tilespmem:s22+$0x10];
	v13 =	vunpack.i.u.s16.s32 v5;
	v5 =	vunpack.i.l.s16.s32 v5;
	[tilespmem:s20+$0x50] =	vst v4;
	v2 =	vpack.i.b32.b16 v3, v2  }
0x55: {  	v3 =	vld [tilespmem:s22+$0xFFFFFE20];
	v4 =	vunpack.i.l.s16.s32 v12;
	v1 =	vpack.i.b32.b16 v1, v5;
	v5 =	vpack.i.b32.b16 v0, v13;
	[tilespmem:s20+$0xFFFFFFE0] =	vst v2  }
0x56: {  	v12 =	vunpack.i.u.s16.s32 v12;
	v2 =	vld [tilespmem:s22+$0x20];
	v13 =	vunpack.i.u.s16.s32 v11;
	v11 =	vunpack.i.l.s16.s32 v11;
	[tilespmem:s20+$0xFFFFFF80] =	vst v1  }
0x57: {  	s20 =	sadd.s32 $0x100, s20;
	v0 =	vunpack.i.u.s16.s32 v9;
	v1 =	vunpack.i.l.s16.s32 v9;
	v9 =	vld [tilespmem:s22+$0xFFFFFE30];
	v12 =	vpack.i.b32.b16 v13, v12;
	[tilespmem:s19+$0x0] =	vst v5  }
0x58: {  	v6 =	vpack.i.b32.b16 v8, v6;
	v5 =	vunpack.i.u.s16.s32 v7;
	v7 =	vunpack.i.l.s16.s32 v7;
	v13 =	vld [tilespmem:s22+$0x30];
	[tilespmem:s20+$0x70] =	vst v12  }
0x59: {  	v4 =	vpack.i.b32.b16 v11, v4;
	v8 =	vunpack.i.u.s16.s32 v10;
	v10 =	vunpack.i.l.s16.s32 v10;
	v12 =	vld [tilespmem:s22+$0xFFFFFE40];
	[tilespmem:s19+$0x60] =	vst v6;
	s19 =	smov.u32 s20  }
0x5a: {  	v6 =	vpack.i.b32.b16 v10, v7;
	v7 =	vunpack.i.u.s16.s32 v3;
	v3 =	vunpack.i.l.s16.s32 v3;
	v11 =	vld [tilespmem:s22+$0x40];
	[tilespmem:s20+$0xFFFFFFF0] =	vst v4  }
.Ltmp4:
0x5b: {  	v5 =	vpack.i.b32.b16 v8, v5;
	[tilespmem:s20+$0xFFFFFF90] =	vst v6;
	v8 =	vunpack.i.u.s16.s32 v2;
	v2 =	vunpack.i.l.s16.s32 v2;
	v4 =	vld [tilespmem:s22+$0xFFFFFE50];
	(pc) =	sbr.rel @p0 .LBB1_5-.Ltmp4, $4  }
0x5c: {  	[tilespmem:s20+$0x10] =	vst v5;
	v2 =	vpack.i.b32.b16 v2, v3;
	v10 =	vunpack.i.u.s16.s32 v9;
	v3 =	vunpack.i.l.s16.s32 v9;
	v6 =	vld [tilespmem:s22+$0x50]  }
0x5d: {  	v5 =	vpack.i.b32.b16 v8, v7;
	[tilespmem:s20+$0xFFFFFFA0] =	vst v2;
	v9 =	vunpack.i.u.s16.s32 v13;
	v7 =	vunpack.i.l.s16.s32 v13;
	v2 =	vld [tilespmem:s22+$0xFFFFFE60]  }
0x5e: {  	[tilespmem:s20+$0x20] =	vst v5;
	v13 =	vpack.i.b32.b16 v7, v3;
	v7 =	vunpack.i.u.s16.s32 v12;
	v8 =	vunpack.i.l.s16.s32 v12;
	v3 =	vld [tilespmem:s22+$0x60]  }
0x5f: {  	v10 =	vpack.i.b32.b16 v9, v10;
	v5 =	vld [tilespmem:s22+$0xFFFFFE00];
	[tilespmem:s20+$0xFFFFFFB0] =	vst v13;
	v9 =	vunpack.i.u.s16.s32 v11;
	v11 =	vunpack.i.l.s16.s32 v11;
	s22 =	sadd.s32 $0x80, s22  }
0x60: {  	[tilespmem:s20+$0x30] =	vst v10;
	v8 =	vpack.i.b32.b16 v11, v8  }
0x61: {  	v51 =	vunpack.i.l.s16.s32 v4;
	v7 =	vpack.i.b32.b16 v9, v7;
	[tilespmem:s20+$0xFFFFFFC0] =	vst v8;
	v52 =	vunpack.i.l.s16.s32 v6  }
0x62: {  	v53 =	vunpack.i.u.s16.s32 v4;
	s18 =	sadd.s32 $0x1, s18;
	v54 =	vunpack.i.u.s16.s32 v6;
	[tilespmem:s20+$0x40] =	vst v7;
	v55 =	vpack.i.b32.b16 v52, v51  }
0x63: {  	p0 =	sne.s32 s18, s15;
	v56 =	vunpack.i.l.s16.s32 v2;
	v4 =	vpack.i.b32.b16 v54, v53;
	[tilespmem:s20+$0xFFFFFFD0] =	vst v55;
	v57 =	vunpack.i.l.s16.s32 v3  }
.Ltmp5:
0x64: {  	[tilespmem:s20+$0x50] =	vst v4;
	v58 =	vunpack.i.l.s16.s32 v5;
	v59 =	vpack.i.b32.b16 v57, v56;
	(pc) =	sbr.rel @p0 .LBB1_4-.Ltmp5, $4  }
.Ltmp6:
0x65: {  	v61 =	vunpack.i.u.s16.s32 v2;
	v62 =	vunpack.i.u.s16.s32 v3;
	v1 =	vpack.i.b32.b16 v1, v58;
	[tilespmem:s20+$0xFFFFFFE0] =	vst v59;
	(pc) =	sbr.rel @!p0 .LBB1_7-.Ltmp6, $4  }
0x66: {  	v60 =	vunpack.i.u.s16.s32 v5;
	v63 =	vpack.i.b32.b16 v62, v61;
	[tilespmem:s20+$0xFFFFFF80] =	vst v1  }
0x67: {  	v0 =	vpack.i.b32.b16 v0, v60;
	[tilespmem:s19+$0x60] =	vst v63  }
0x68: {  	s16 =	sadd.s32 $0x400, s16;
	s17 =	sadd.s32 $0x400, s17;
	[tilespmem:s19+$0x0] =	vst v0  }
0x69: {  	_ = 	snop  }
.LBB1_9:
0x6a: {  	_ =	sfence.sel $0x180000  }
0x6b: {  	s2 =	simm.s32 $0x1;
	[bflag:$0x0] =	sbarrier.arrive $0xFFFF  }
0x6c: {  	s31 =	simm.s32 $0x2;
	[sflag:s2] =	ssyncpa.u1 $0x1  }
0x6d: {  	[sflag:s31] =	ssyncpa.u1 $0x1  }
0x6e: {  	p0 =	sne.s32 s1, $0x0;
	_ =	strace $0x9000004A  }
0x6f: {  	s0 =	sadd.s32 @!p0 $0x100000, s0;
	[bflag:$0x2] =	sbarrier.arrive $0xFFFF  }
0x70: {  	[sflag:s0] =	ssyncadd.tile.s32 @!p0 $0x1;
	_ =	shalt  }
.Lfunc_end1:
_tile_overlayer_lowered:
.L_overlay_start_2:
0x71: {  	(tag) =	ssettag $0x2  }
0x72: {  	s0 =	rddreg [dreg:$0x0];
	s2 =	stileid.u32  }
0x73: {  	s1 =	rddreg [dreg:$0x1];
	p0 =	sne.s32 s2, $0x0  }
0x74: {  	s3 =	rddreg [dreg:$0x2];
	[bflag:$0x3] =	sbarrier.arrive $0xFFFF;
	s2 =	simm.s32 @!p0 $0x1C01  }
0x75: {  	[timem:s3], [sflag:s2] =	dma.local @!p0 [hbm:s0], s1  }
0x76: {  	s0 =	simm.s32 @!p0 $0x1  }
0x77: {  	_ =	swait.ge @!p0 [sflag:s0], s1  }
0x78: {  	s1 =	ssub.s32 @!p0 $0x0, s1;
	[sflag:s0] =	ssyncset.done @!p0 $0x0  }
0x79: {  	[sflag:s0] =	ssyncadd.s32 @!p0 s1  }
0x7a: {  	[bflag:$0x3] =	sbarrier.arrive $0xFFFF  }
0x7b: {  	_ =	shalt  }

</sc_bundles>
